<compile_context>
chip_gen: v7x
topology: tpu7x:2x2x1
jax: 0.10.2.dev20260603
libtpu: 0.0.44.dev20260713+nightly
codegen_flags: <defaults>
</compile_context>

<pallas_src>
import functools

import jax
import jax.numpy as jnp
from jax import lax
from jax.experimental import pallas as pl
from jax.experimental.pallas import tpu as pltpu

B, L, V, D, F, K, KW = 1024, 200, 100000, 10, 10, 50, 3
DP = 16
S = 2 * B
GS = 8
G = S // GS
N = S * L
LV = L - KW + 1
NEG = float(jnp.finfo(jnp.float32).min)


def _sc_gather(table, idx):
    from jax.experimental.pallas import tpu_sc as plsc

    nrows = idx.shape[0]
    info = plsc.get_sparse_core_info()
    NC, NS = info.num_cores, info.num_subcores
    NW = NC * NS
    b_per_w = nrows // NW
    CH = 3200
    mesh = plsc.VectorSubcoreMesh(core_axis_name="c", subcore_axis_name="s")

    @functools.partial(
        pl.kernel,
        mesh=mesh,
        out_type=jax.ShapeDtypeStruct((nrows, D), jnp.float32),
        scratch_types=[
            pltpu.VMEM((CH,), jnp.int32),
            pltpu.VMEM((CH, D), jnp.float32),
            pltpu.SemaphoreType.DMA,
        ],
        compiler_params=pltpu.CompilerParams(use_tc_tiling_on_sc=False),
    )
    def k(table_hbm, idx_hbm, out_hbm, idx_v, rows_v, sem):
        wid = lax.axis_index("s") * NC + lax.axis_index("c")
        base = wid * b_per_w
        for c in range(b_per_w // CH):
            off = base + c * CH
            pltpu.sync_copy(idx_hbm.at[pl.ds(off, CH)], idx_v)
            pltpu.async_copy(table_hbm.at[idx_v], rows_v, sem).wait()
            pltpu.sync_copy(rows_v, out_hbm.at[pl.ds(off, CH)])

    return k(table, idx)


GPB = 16


def _tc_body(x_ref, w_ref, bias_ref, wfc_ref, fcb_ref, o_ref, vals_ref):
    X = x_ref[...]
    X1 = pltpu.roll(X, L - 1, 1)
    X2 = pltpu.roll(X, L - 2, 1)

    def mm(a, w):
        r = jnp.dot(a.reshape(GPB * L, GS * D), w,
                    preferred_element_type=jnp.float32)
        return r.reshape(GPB, L, 128)

    Y = mm(X, w_ref[0]) + mm(X1, w_ref[1]) + mm(X2, w_ref[2])
    Y = Y + bias_ref[0:1]
    s = lax.bitcast_convert_type(Y, jnp.int32)
    tio = lax.broadcasted_iota(jnp.int32, (GPB, L, 128), 1)
    low = jnp.where(s >= 0, jnp.int32(255) - tio, tio)
    keyf = lax.bitcast_convert_type((s & ~jnp.int32(255)) | low, jnp.float32)
    tio8 = lax.broadcasted_iota(jnp.int32, (GPB, 8, 128), 1)
    tail = jnp.where(tio8 < LV - 192, keyf[:, 192:200], NEG)
    zpad = jnp.full((GPB, 24, 128), NEG, jnp.float32)
    keyp = jnp.concatenate([keyf[:, :192], tail, zpad], axis=1)
    a, b = keyp[:, :56], keyp[:, 56:112]
    c, d = keyp[:, 112:168], keyp[:, 168:]
    a, b = jnp.maximum(a, b), jnp.minimum(a, b)
    c, d = jnp.maximum(c, d), jnp.minimum(c, d)
    a, c = jnp.maximum(a, c), jnp.minimum(a, c)
    b, d = jnp.maximum(b, d), jnp.minimum(b, d)
    b, c = jnp.maximum(b, c), jnp.minimum(b, c)

    def step(k, carry):
        s0, s1, s2, s3 = carry
        m = jnp.max(s0, axis=1, keepdims=True)
        vals_ref[:, pl.ds(k, 1)] = m
        hit = s0 == m
        return (jnp.where(hit, s1, s0), jnp.where(hit, s2, s1),
                jnp.where(hit, s3, s2), jnp.where(hit, NEG, s3))

    lax.fori_loop(0, K, step, (a, b, c, d), unroll=True)
    b50 = lax.bitcast_convert_type(vals_ref[:, 0:K], jnp.int32)
    V50 = lax.bitcast_convert_type(
        (b50 & ~jnp.int32(255)) | jnp.int32(128), jnp.float32)
    out = jnp.dot(V50.reshape(GPB * K, 128), wfc_ref[...],
                  preferred_element_type=jnp.float32).reshape(GPB, K, 16)
    o_ref[...] = jnp.maximum(out + fcb_ref[0:1], 0.0)


def _tc_stage(xg, wbig, bias_t, wfc, fcb):
    ng = xg.shape[0]
    return pl.pallas_call(
        _tc_body,
        grid=(ng // GPB,),
        in_specs=[
            pl.BlockSpec((GPB, L, GS * D), lambda g: (g, 0, 0)),
            pl.BlockSpec((KW, GS * D, 128), lambda g: (0, 0, 0)),
            pl.BlockSpec((8, 128), lambda g: (0, 0)),
            pl.BlockSpec((128, 16), lambda g: (0, 0)),
            pl.BlockSpec((8, 16), lambda g: (0, 0)),
        ],
        out_specs=pl.BlockSpec((GPB, K, 16), lambda g: (g, 0, 0)),
        out_shape=jax.ShapeDtypeStruct((ng, K, 16), jnp.float32),
        scratch_shapes=[pltpu.VMEM((GPB, K + 6, 128), jnp.float32)],
    )(xg, wbig, bias_t, wfc, fcb)


def kernel(inputs, emb, conv_w, conv_b, fc_w, fc_b):
    seqs = inputs.reshape(S, L).astype(jnp.int32)
    idx = seqs.reshape(G, GS, L).transpose(0, 2, 1).reshape(-1)
    table = emb

    eye8 = jnp.eye(GS, dtype=jnp.float32)
    wp = jnp.zeros((KW, D, DP), jnp.float32).at[:, :, :D].set(conv_w)
    wbig = jnp.stack([jnp.kron(eye8, wp[w]) for w in range(KW)])
    bias_t = jnp.tile(
        jnp.concatenate([conv_b, jnp.zeros((DP - F,), jnp.float32)]), (GS,))
    bias_t = jnp.broadcast_to(bias_t, (8, 128))
    wfc = jnp.kron(eye8, jnp.zeros((DP, 2), jnp.float32).at[:D].set(fc_w))
    fcb = jnp.broadcast_to(jnp.tile(fc_b, (GS,)), (8, 16))

    NCH = 2
    gc = G // NCH
    parts = []
    for ci in range(NCH):
        gat = _sc_gather(table, idx[ci * gc * GS * L:(ci + 1) * gc * GS * L])
        parts.append(gat.reshape(gc, L, GS * D))
    out = jnp.concatenate(
        [_tc_stage(p, wbig, bias_t, wfc, fcb) for p in parts], axis=0)

    out = out.reshape(G, K, GS, 2).transpose(0, 2, 1, 3)
    out = out.reshape(B, 2, K, 2).reshape(B, 2 * K, 2)
    return out

# --- scband reference (transcript-rebuilt; emitter-appended) ---
"""Pipeline reference for scband-cnn-24524263260267 (READ-ONLY COPY).

The authoritative reference and input builder live on the scoring server;
editing this copy changes nothing except your own understanding.
"""

import jax, jax.numpy as jnp
import numpy as np

B, L, V, D, F, K, KW = 1024, 200, 100000, 10, 10, 50, 3

def setup_inputs(seed: int = 0) -> dict:
    key = jax.random.key(seed)
    k1, k2, k3, k4, k5 = jax.random.split(key, 5)
    inputs = jax.random.randint(k1, (B, 2, L), 0, V, dtype=jnp.int64)
    emb = jax.random.normal(k2, (V, D), dtype=jnp.float32) * 0.05
    conv_w = jax.random.normal(k3, (KW, D, F), dtype=jnp.float32) * 0.1
    conv_b = jnp.zeros((F,), dtype=jnp.float32)
    fc_w = jax.random.normal(k4, (F, 2), dtype=jnp.float32) * 0.1
    fc_b = jnp.zeros((2,), dtype=jnp.float32)
    return {"inputs": inputs, "emb": emb, "conv_w": conv_w, "conv_b": conv_b, "fc_w": fc_w, "fc_b": fc_b}

def reference(inputs, emb, conv_w, conv_b, fc_w, fc_b):
    # embedding lookups for the two token streams
    p1 = jnp.take(emb, inputs[:, 0], axis=0)  # [B, L, D]
    p2 = jnp.take(emb, inputs[:, 1], axis=0)
    def conv1d(x):
        y = jax.lax.conv_general_dilated(x, conv_w, window_strides=(1,), padding='VALID',
                                         dimension_numbers=('NWC', 'WIO', 'NWC'))
        return y + conv_b  # [B, L-2, F]
    p1 = conv1d(p1)
    p2 = conv1d(p2)
    # top-k over the time axis per channel (k-max pooling)
    p1 = jax.lax.top_k(jnp.transpose(p1, (0, 2, 1)), K)[0]  # [B, F, K]
    p2 = jax.lax.top_k(jnp.transpose(p2, (0, 2, 1)), K)[0]
    p1 = jnp.transpose(p1, (0, 2, 1))  # [B, K, F]
    p2 = jnp.transpose(p2, (0, 2, 1))
    x = jnp.concatenate([p1, p2], axis=1)  # [B, 2K, F]
    return jax.nn.relu(x @ fc_w + fc_b)  # [B, 2K, 2]

if __name__ == "__main__":
    import jax
    _d = setup_inputs()
    print(jax.jit(kernel)(*tuple(_d.values())))

</pallas_src>

<mosaic_0001>
#map = affine_map<(d0, d1) -> (0, 0)>
#map1 = affine_map<(d0, d1) -> (0)>
module attributes {stable_mosaic.version = 14 : i64} {
  func.func @k(%arg0: i32, %arg1: i32, %arg2: memref<100000x10xf32, #tpu.memory_space<hbm>>, %arg3: memref<204800xi32, #tpu.memory_space<hbm>>, %arg4: memref<204800x10xf32, #tpu.memory_space<hbm>>, %arg5: memref<3200xi32, #tpu.memory_space<vmem>>, %arg6: memref<3200x10xf32, #tpu.memory_space<vmem>>, %arg7: memref<!tpu.dma_semaphore, #tpu.memory_space<semaphore_mem>>) attributes {dimension_semantics = [#tpu.dimension_semantics<core_parallel>, #tpu.dimension_semantics<subcore_parallel>], iteration_bounds = array<i64: 2, 16>, scalar_prefetch = 0 : i64, scratch_operands = 3 : i64, tpu.core_type = #tpu.core_type<sc_vector_subcore>, window_params = [{transform_indices = #map}, {transform_indices = #map1}, {transform_indices = #map}]} {
    %mul3A = arith.constant 2 : i32
    %mul3A_0 = arith.muli %arg1, %mul3A : i32
    %add3A = arith.addi %mul3A_0, %arg0 : i32
    %mul3A_1 = arith.constant 6400 : i32
    %mul3A_2 = arith.muli %add3A, %mul3A_1 : i32
    %add3A_3 = arith.constant 0 : i32
    %add3A_4 = arith.addi %mul3A_2, %add3A_3 : i32
    "tpu.region"() ({
      %run_scoped3A = tpu.sem_alloc : memref<!tpu.dma_semaphore, #tpu.memory_space<semaphore_mem>>
      %dma_start3A_17 = tpu.memref_slice %arg3[%add3A_4] : memref<204800xi32, #tpu.memory_space<hbm>> -> memref<3200xi32, #tpu.memory_space<hbm>>
      %dma_start3A_18 = tpu.memref_slice %arg3[%add3A_4] : memref<204800xi32, #tpu.memory_space<hbm>> -> memref<3200xi32, #tpu.memory_space<hbm>>
      tpu.enqueue_dma source(%dma_start3A_18 : memref<3200xi32, #tpu.memory_space<hbm>>) target(%arg5 : memref<3200xi32, #tpu.memory_space<vmem>>) target_semaphore(%run_scoped3A : memref<!tpu.dma_semaphore, #tpu.memory_space<semaphore_mem>>)
      %dma_wait3A_19 = tpu.memref_slice %arg3[%add3A_4] : memref<204800xi32, #tpu.memory_space<hbm>> -> memref<3200xi32, #tpu.memory_space<hbm>>
      %dma_wait3A_20 = tpu.memref_slice %arg3[%add3A_4] : memref<204800xi32, #tpu.memory_space<hbm>> -> memref<3200xi32, #tpu.memory_space<hbm>>
      tpu.wait_dma2 semaphore(%run_scoped3A : memref<!tpu.dma_semaphore, #tpu.memory_space<semaphore_mem>>) src(%dma_wait3A_20 : memref<3200xi32, #tpu.memory_space<hbm>>) dst(%arg5 : memref<3200xi32, #tpu.memory_space<vmem>>)
      tpu.yield
    }) : () -> ()
    %dma_start3A = arith.constant 0 : i32
    %dma_start3A_5 = arith.constant 0 : i32
    %dma_start3A_6 = tpu.memref_slice %arg2[%dma_start3A, %dma_start3A_5] : memref<100000x10xf32, #tpu.memory_space<hbm>> -> memref<100000x10xf32, #tpu.memory_space<hbm>>
    tpu.enqueue_indirect_dma source(%dma_start3A_6 : memref<100000x10xf32, #tpu.memory_space<hbm>>) target(%arg6 : memref<3200x10xf32, #tpu.memory_space<vmem>>) offsets(%arg5 : memref<3200xi32, #tpu.memory_space<vmem>>) semaphore(%arg7 : memref<!tpu.dma_semaphore, #tpu.memory_space<semaphore_mem>>)
    %dma_wait3A = arith.constant 0 : i32
    %dma_wait3A_7 = arith.constant 0 : i32
    %dma_wait3A_8 = tpu.memref_slice %arg2[%dma_wait3A, %dma_wait3A_7] : memref<100000x10xf32, #tpu.memory_space<hbm>> -> memref<100000x10xf32, #tpu.memory_space<hbm>>
    tpu.wait_indirect_dma semaphore(%arg7 : memref<!tpu.dma_semaphore, #tpu.memory_space<semaphore_mem>>) src(%dma_wait3A_8 : memref<100000x10xf32, #tpu.memory_space<hbm>>) dst(%arg6 : memref<3200x10xf32, #tpu.memory_space<vmem>>)
    "tpu.region"() ({
      %run_scoped3A = tpu.sem_alloc : memref<!tpu.dma_semaphore, #tpu.memory_space<semaphore_mem>>
      %dma_start3A_17 = arith.constant 0 : i32
      %dma_start3A_18 = tpu.memref_slice %arg4[%add3A_4, %dma_start3A_17] : memref<204800x10xf32, #tpu.memory_space<hbm>> -> memref<3200x10xf32, #tpu.memory_space<hbm>>
      %dma_start3A_19 = arith.constant 0 : i32
      %dma_start3A_20 = tpu.memref_slice %arg4[%add3A_4, %dma_start3A_19] : memref<204800x10xf32, #tpu.memory_space<hbm>> -> memref<3200x10xf32, #tpu.memory_space<hbm>>
      tpu.enqueue_dma source(%arg6 : memref<3200x10xf32, #tpu.memory_space<vmem>>) target(%dma_start3A_20 : memref<3200x10xf32, #tpu.memory_space<hbm>>) target_semaphore(%run_scoped3A : memref<!tpu.dma_semaphore, #tpu.memory_space<semaphore_mem>>)
      %dma_wait3A_21 = arith.constant 0 : i32
      %dma_wait3A_22 = tpu.memref_slice %arg4[%add3A_4, %dma_wait3A_21] : memref<204800x10xf32, #tpu.memory_space<hbm>> -> memref<3200x10xf32, #tpu.memory_space<hbm>>
      %dma_wait3A_23 = arith.constant 0 : i32
      %dma_wait3A_24 = tpu.memref_slice %arg4[%add3A_4, %dma_wait3A_23] : memref<204800x10xf32, #tpu.memory_space<hbm>> -> memref<3200x10xf32, #tpu.memory_space<hbm>>
      tpu.wait_dma2 semaphore(%run_scoped3A : memref<!tpu.dma_semaphore, #tpu.memory_space<semaphore_mem>>) src(%arg6 : memref<3200x10xf32, #tpu.memory_space<vmem>>) dst(%dma_wait3A_24 : memref<3200x10xf32, #tpu.memory_space<hbm>>)
      tpu.yield
    }) : () -> ()
    %add3A_9 = arith.constant 3200 : i32
    %add3A_10 = arith.addi %mul3A_2, %add3A_9 : i32
    "tpu.region"() ({
      %run_scoped3A = tpu.sem_alloc : memref<!tpu.dma_semaphore, #tpu.memory_space<semaphore_mem>>
      %dma_start3A_17 = tpu.memref_slice %arg3[%add3A_10] : memref<204800xi32, #tpu.memory_space<hbm>> -> memref<3200xi32, #tpu.memory_space<hbm>>
      %dma_start3A_18 = tpu.memref_slice %arg3[%add3A_10] : memref<204800xi32, #tpu.memory_space<hbm>> -> memref<3200xi32, #tpu.memory_space<hbm>>
      tpu.enqueue_dma source(%dma_start3A_18 : memref<3200xi32, #tpu.memory_space<hbm>>) target(%arg5 : memref<3200xi32, #tpu.memory_space<vmem>>) target_semaphore(%run_scoped3A : memref<!tpu.dma_semaphore, #tpu.memory_space<semaphore_mem>>)
      %dma_wait3A_19 = tpu.memref_slice %arg3[%add3A_10] : memref<204800xi32, #tpu.memory_space<hbm>> -> memref<3200xi32, #tpu.memory_space<hbm>>
      %dma_wait3A_20 = tpu.memref_slice %arg3[%add3A_10] : memref<204800xi32, #tpu.memory_space<hbm>> -> memref<3200xi32, #tpu.memory_space<hbm>>
      tpu.wait_dma2 semaphore(%run_scoped3A : memref<!tpu.dma_semaphore, #tpu.memory_space<semaphore_mem>>) src(%dma_wait3A_20 : memref<3200xi32, #tpu.memory_space<hbm>>) dst(%arg5 : memref<3200xi32, #tpu.memory_space<vmem>>)
      tpu.yield
    }) : () -> ()
    %dma_start3A_11 = arith.constant 0 : i32
    %dma_start3A_12 = arith.constant 0 : i32
    %dma_start3A_13 = tpu.memref_slice %arg2[%dma_start3A_11, %dma_start3A_12] : memref<100000x10xf32, #tpu.memory_space<hbm>> -> memref<100000x10xf32, #tpu.memory_space<hbm>>
    tpu.enqueue_indirect_dma source(%dma_start3A_13 : memref<100000x10xf32, #tpu.memory_space<hbm>>) target(%arg6 : memref<3200x10xf32, #tpu.memory_space<vmem>>) offsets(%arg5 : memref<3200xi32, #tpu.memory_space<vmem>>) semaphore(%arg7 : memref<!tpu.dma_semaphore, #tpu.memory_space<semaphore_mem>>)
    %dma_wait3A_14 = arith.constant 0 : i32
    %dma_wait3A_15 = arith.constant 0 : i32
    %dma_wait3A_16 = tpu.memref_slice %arg2[%dma_wait3A_14, %dma_wait3A_15] : memref<100000x10xf32, #tpu.memory_space<hbm>> -> memref<100000x10xf32, #tpu.memory_space<hbm>>
    tpu.wait_indirect_dma semaphore(%arg7 : memref<!tpu.dma_semaphore, #tpu.memory_space<semaphore_mem>>) src(%dma_wait3A_16 : memref<100000x10xf32, #tpu.memory_space<hbm>>) dst(%arg6 : memref<3200x10xf32, #tpu.memory_space<vmem>>)
    "tpu.region"() ({
      %run_scoped3A = tpu.sem_alloc : memref<!tpu.dma_semaphore, #tpu.memory_space<semaphore_mem>>
      %dma_start3A_17 = arith.constant 0 : i32
      %dma_start3A_18 = tpu.memref_slice %arg4[%add3A_10, %dma_start3A_17] : memref<204800x10xf32, #tpu.memory_space<hbm>> -> memref<3200x10xf32, #tpu.memory_space<hbm>>
      %dma_start3A_19 = arith.constant 0 : i32
      %dma_start3A_20 = tpu.memref_slice %arg4[%add3A_10, %dma_start3A_19] : memref<204800x10xf32, #tpu.memory_space<hbm>> -> memref<3200x10xf32, #tpu.memory_space<hbm>>
      tpu.enqueue_dma source(%arg6 : memref<3200x10xf32, #tpu.memory_space<vmem>>) target(%dma_start3A_20 : memref<3200x10xf32, #tpu.memory_space<hbm>>) target_semaphore(%run_scoped3A : memref<!tpu.dma_semaphore, #tpu.memory_space<semaphore_mem>>)
      %dma_wait3A_21 = arith.constant 0 : i32
      %dma_wait3A_22 = tpu.memref_slice %arg4[%add3A_10, %dma_wait3A_21] : memref<204800x10xf32, #tpu.memory_space<hbm>> -> memref<3200x10xf32, #tpu.memory_space<hbm>>
      %dma_wait3A_23 = arith.constant 0 : i32
      %dma_wait3A_24 = tpu.memref_slice %arg4[%add3A_10, %dma_wait3A_23] : memref<204800x10xf32, #tpu.memory_space<hbm>> -> memref<3200x10xf32, #tpu.memory_space<hbm>>
      tpu.wait_dma2 semaphore(%run_scoped3A : memref<!tpu.dma_semaphore, #tpu.memory_space<semaphore_mem>>) src(%arg6 : memref<3200x10xf32, #tpu.memory_space<vmem>>) dst(%dma_wait3A_24 : memref<3200x10xf32, #tpu.memory_space<hbm>>)
      tpu.yield
    }) : () -> ()
    return
  }
}

#map = affine_map<(d0, d1) -> (0, 0)>
#map1 = affine_map<(d0, d1) -> (0)>
module attributes {stable_mosaic.version = 14 : i64} {
  func.func @k(%arg0: i32, %arg1: i32, %arg2: memref<100000x10xf32, #tpu.memory_space<hbm>>, %arg3: memref<204800xi32, #tpu.memory_space<hbm>>, %arg4: memref<204800x10xf32, #tpu.memory_space<hbm>>, %arg5: memref<3200xi32, #tpu.memory_space<vmem>>, %arg6: memref<3200x10xf32, #tpu.memory_space<vmem>>, %arg7: memref<!tpu.dma_semaphore, #tpu.memory_space<semaphore_mem>>) attributes {dimension_semantics = [#tpu.dimension_semantics<core_parallel>, #tpu.dimension_semantics<subcore_parallel>], iteration_bounds = array<i64: 2, 16>, scalar_prefetch = 0 : i64, scratch_operands = 3 : i64, tpu.core_type = #tpu.core_type<sc_vector_subcore>, window_params = [{transform_indices = #map}, {transform_indices = #map1}, {transform_indices = #map}]} {
    %mul3A = arith.constant 2 : i32
    %mul3A_0 = arith.muli %arg1, %mul3A : i32
    %add3A = arith.addi %mul3A_0, %arg0 : i32
    %mul3A_1 = arith.constant 6400 : i32
    %mul3A_2 = arith.muli %add3A, %mul3A_1 : i32
    %add3A_3 = arith.constant 0 : i32
    %add3A_4 = arith.addi %mul3A_2, %add3A_3 : i32
    "tpu.region"() ({
      %run_scoped3A = tpu.sem_alloc : memref<!tpu.dma_semaphore, #tpu.memory_space<semaphore_mem>>
      %dma_start3A_17 = tpu.memref_slice %arg3[%add3A_4] : memref<204800xi32, #tpu.memory_space<hbm>> -> memref<3200xi32, #tpu.memory_space<hbm>>
      %dma_start3A_18 = tpu.memref_slice %arg3[%add3A_4] : memref<204800xi32, #tpu.memory_space<hbm>> -> memref<3200xi32, #tpu.memory_space<hbm>>
      tpu.enqueue_dma source(%dma_start3A_18 : memref<3200xi32, #tpu.memory_space<hbm>>) target(%arg5 : memref<3200xi32, #tpu.memory_space<vmem>>) target_semaphore(%run_scoped3A : memref<!tpu.dma_semaphore, #tpu.memory_space<semaphore_mem>>)
      %dma_wait3A_19 = tpu.memref_slice %arg3[%add3A_4] : memref<204800xi32, #tpu.memory_space<hbm>> -> memref<3200xi32, #tpu.memory_space<hbm>>
      %dma_wait3A_20 = tpu.memref_slice %arg3[%add3A_4] : memref<204800xi32, #tpu.memory_space<hbm>> -> memref<3200xi32, #tpu.memory_space<hbm>>
      tpu.wait_dma2 semaphore(%run_scoped3A : memref<!tpu.dma_semaphore, #tpu.memory_space<semaphore_mem>>) src(%dma_wait3A_20 : memref<3200xi32, #tpu.memory_space<hbm>>) dst(%arg5 : memref<3200xi32, #tpu.memory_space<vmem>>)
      tpu.yield
    }) : () -> ()
    %dma_start3A = arith.constant 0 : i32
    %dma_start3A_5 = arith.constant 0 : i32
    %dma_start3A_6 = tpu.memref_slice %arg2[%dma_start3A, %dma_start3A_5] : memref<100000x10xf32, #tpu.memory_space<hbm>> -> memref<100000x10xf32, #tpu.memory_space<hbm>>
    tpu.enqueue_indirect_dma source(%dma_start3A_6 : memref<100000x10xf32, #tpu.memory_space<hbm>>) target(%arg6 : memref<3200x10xf32, #tpu.memory_space<vmem>>) offsets(%arg5 : memref<3200xi32, #tpu.memory_space<vmem>>) semaphore(%arg7 : memref<!tpu.dma_semaphore, #tpu.memory_space<semaphore_mem>>)
    %dma_wait3A = arith.constant 0 : i32
    %dma_wait3A_7 = arith.constant 0 : i32
    %dma_wait3A_8 = tpu.memref_slice %arg2[%dma_wait3A, %dma_wait3A_7] : memref<100000x10xf32, #tpu.memory_space<hbm>> -> memref<100000x10xf32, #tpu.memory_space<hbm>>
    tpu.wait_indirect_dma semaphore(%arg7 : memref<!tpu.dma_semaphore, #tpu.memory_space<semaphore_mem>>) src(%dma_wait3A_8 : memref<100000x10xf32, #tpu.memory_space<hbm>>) dst(%arg6 : memref<3200x10xf32, #tpu.memory_space<vmem>>)
    "tpu.region"() ({
      %run_scoped3A = tpu.sem_alloc : memref<!tpu.dma_semaphore, #tpu.memory_space<semaphore_mem>>
      %dma_start3A_17 = arith.constant 0 : i32
      %dma_start3A_18 = tpu.memref_slice %arg4[%add3A_4, %dma_start3A_17] : memref<204800x10xf32, #tpu.memory_space<hbm>> -> memref<3200x10xf32, #tpu.memory_space<hbm>>
      %dma_start3A_19 = arith.constant 0 : i32
      %dma_start3A_20 = tpu.memref_slice %arg4[%add3A_4, %dma_start3A_19] : memref<204800x10xf32, #tpu.memory_space<hbm>> -> memref<3200x10xf32, #tpu.memory_space<hbm>>
      tpu.enqueue_dma source(%arg6 : memref<3200x10xf32, #tpu.memory_space<vmem>>) target(%dma_start3A_20 : memref<3200x10xf32, #tpu.memory_space<hbm>>) target_semaphore(%run_scoped3A : memref<!tpu.dma_semaphore, #tpu.memory_space<semaphore_mem>>)
      %dma_wait3A_21 = arith.constant 0 : i32
      %dma_wait3A_22 = tpu.memref_slice %arg4[%add3A_4, %dma_wait3A_21] : memref<204800x10xf32, #tpu.memory_space<hbm>> -> memref<3200x10xf32, #tpu.memory_space<hbm>>
      %dma_wait3A_23 = arith.constant 0 : i32
      %dma_wait3A_24 = tpu.memref_slice %arg4[%add3A_4, %dma_wait3A_23] : memref<204800x10xf32, #tpu.memory_space<hbm>> -> memref<3200x10xf32, #tpu.memory_space<hbm>>
      tpu.wait_dma2 semaphore(%run_scoped3A : memref<!tpu.dma_semaphore, #tpu.memory_space<semaphore_mem>>) src(%arg6 : memref<3200x10xf32, #tpu.memory_space<vmem>>) dst(%dma_wait3A_24 : memref<3200x10xf32, #tpu.memory_space<hbm>>)
      tpu.yield
    }) : () -> ()
    %add3A_9 = arith.constant 3200 : i32
    %add3A_10 = arith.addi %mul3A_2, %add3A_9 : i32
    "tpu.region"() ({
      %run_scoped3A = tpu.sem_alloc : memref<!tpu.dma_semaphore, #tpu.memory_space<semaphore_mem>>
      %dma_start3A_17 = tpu.memref_slice %arg3[%add3A_10] : memref<204800xi32, #tpu.memory_space<hbm>> -> memref<3200xi32, #tpu.memory_space<hbm>>
      %dma_start3A_18 = tpu.memref_slice %arg3[%add3A_10] : memref<204800xi32, #tpu.memory_space<hbm>> -> memref<3200xi32, #tpu.memory_space<hbm>>
      tpu.enqueue_dma source(%dma_start3A_18 : memref<3200xi32, #tpu.memory_space<hbm>>) target(%arg5 : memref<3200xi32, #tpu.memory_space<vmem>>) target_semaphore(%run_scoped3A : memref<!tpu.dma_semaphore, #tpu.memory_space<semaphore_mem>>)
      %dma_wait3A_19 = tpu.memref_slice %arg3[%add3A_10] : memref<204800xi32, #tpu.memory_space<hbm>> -> memref<3200xi32, #tpu.memory_space<hbm>>
      %dma_wait3A_20 = tpu.memref_slice %arg3[%add3A_10] : memref<204800xi32, #tpu.memory_space<hbm>> -> memref<3200xi32, #tpu.memory_space<hbm>>
      tpu.wait_dma2 semaphore(%run_scoped3A : memref<!tpu.dma_semaphore, #tpu.memory_space<semaphore_mem>>) src(%dma_wait3A_20 : memref<3200xi32, #tpu.memory_space<hbm>>) dst(%arg5 : memref<3200xi32, #tpu.memory_space<vmem>>)
      tpu.yield
    }) : () -> ()
    %dma_start3A_11 = arith.constant 0 : i32
    %dma_start3A_12 = arith.constant 0 : i32
    %dma_start3A_13 = tpu.memref_slice %arg2[%dma_start3A_11, %dma_start3A_12] : memref<100000x10xf32, #tpu.memory_space<hbm>> -> memref<100000x10xf32, #tpu.memory_space<hbm>>
    tpu.enqueue_indirect_dma source(%dma_start3A_13 : memref<100000x10xf32, #tpu.memory_space<hbm>>) target(%arg6 : memref<3200x10xf32, #tpu.memory_space<vmem>>) offsets(%arg5 : memref<3200xi32, #tpu.memory_space<vmem>>) semaphore(%arg7 : memref<!tpu.dma_semaphore, #tpu.memory_space<semaphore_mem>>)
    %dma_wait3A_14 = arith.constant 0 : i32
    %dma_wait3A_15 = arith.constant 0 : i32
    %dma_wait3A_16 = tpu.memref_slice %arg2[%dma_wait3A_14, %dma_wait3A_15] : memref<100000x10xf32, #tpu.memory_space<hbm>> -> memref<100000x10xf32, #tpu.memory_space<hbm>>
    tpu.wait_indirect_dma semaphore(%arg7 : memref<!tpu.dma_semaphore, #tpu.memory_space<semaphore_mem>>) src(%dma_wait3A_16 : memref<100000x10xf32, #tpu.memory_space<hbm>>) dst(%arg6 : memref<3200x10xf32, #tpu.memory_space<vmem>>)
    "tpu.region"() ({
      %run_scoped3A = tpu.sem_alloc : memref<!tpu.dma_semaphore, #tpu.memory_space<semaphore_mem>>
      %dma_start3A_17 = arith.constant 0 : i32
      %dma_start3A_18 = tpu.memref_slice %arg4[%add3A_10, %dma_start3A_17] : memref<204800x10xf32, #tpu.memory_space<hbm>> -> memref<3200x10xf32, #tpu.memory_space<hbm>>
      %dma_start3A_19 = arith.constant 0 : i32
      %dma_start3A_20 = tpu.memref_slice %arg4[%add3A_10, %dma_start3A_19] : memref<204800x10xf32, #tpu.memory_space<hbm>> -> memref<3200x10xf32, #tpu.memory_space<hbm>>
      tpu.enqueue_dma source(%arg6 : memref<3200x10xf32, #tpu.memory_space<vmem>>) target(%dma_start3A_20 : memref<3200x10xf32, #tpu.memory_space<hbm>>) target_semaphore(%run_scoped3A : memref<!tpu.dma_semaphore, #tpu.memory_space<semaphore_mem>>)
      %dma_wait3A_21 = arith.constant 0 : i32
      %dma_wait3A_22 = tpu.memref_slice %arg4[%add3A_10, %dma_wait3A_21] : memref<204800x10xf32, #tpu.memory_space<hbm>> -> memref<3200x10xf32, #tpu.memory_space<hbm>>
      %dma_wait3A_23 = arith.constant 0 : i32
      %dma_wait3A_24 = tpu.memref_slice %arg4[%add3A_10, %dma_wait3A_23] : memref<204800x10xf32, #tpu.memory_space<hbm>> -> memref<3200x10xf32, #tpu.memory_space<hbm>>
      tpu.wait_dma2 semaphore(%run_scoped3A : memref<!tpu.dma_semaphore, #tpu.memory_space<semaphore_mem>>) src(%arg6 : memref<3200x10xf32, #tpu.memory_space<vmem>>) dst(%dma_wait3A_24 : memref<3200x10xf32, #tpu.memory_space<hbm>>)
      tpu.yield
    }) : () -> ()
    return
  }
}

module attributes {stable_mosaic.version = 14 : i64} {
  func.func @_tc_body(%arg0: i32, %arg1: memref<16x200x80xf32, #tpu.memory_space<vmem>>, %arg2: memref<3x80x128xf32, #tpu.memory_space<vmem>>, %arg3: memref<8x128xf32, #tpu.memory_space<vmem>>, %arg4: memref<128x16xf32, #tpu.memory_space<vmem>>, %arg5: memref<8x16xf32, #tpu.memory_space<vmem>>, %arg6: memref<16x50x16xf32, #tpu.memory_space<vmem>>, %arg7: memref<16x56x128xf32, #tpu.memory_space<vmem>>) attributes {dimension_semantics = [#tpu.dimension_semantics<arbitrary>], iteration_bounds = array<i64: 8>, scalar_prefetch = 0 : i64, scratch_operands = 1 : i64, tpu.core_type = #tpu.core_type<tc>, window_params = [{transform_indices = @transform_0, window_bounds = array<i64: 16, 200, 80>}, {pipeline_mode = #tpu.pipeline_mode<synchronous>, transform_indices = @transform_1, window_bounds = array<i64: 3, 80, 128>}, {pipeline_mode = #tpu.pipeline_mode<synchronous>, transform_indices = @transform_2, window_bounds = array<i64: 8, 128>}, {pipeline_mode = #tpu.pipeline_mode<synchronous>, transform_indices = @transform_3, window_bounds = array<i64: 128, 16>}, {pipeline_mode = #tpu.pipeline_mode<synchronous>, transform_indices = @transform_4, window_bounds = array<i64: 8, 16>}, {transform_indices = @transform_5, window_bounds = array<i64: 16, 50, 16>}]} {
    %get3A = arith.constant 0 : index
    %get3A_0 = arith.constant 0 : index
    %get3A_1 = arith.constant 0 : index
    %get3A_2 = vector.load %arg1[%get3A, %get3A_0, %get3A_1] : memref<16x200x80xf32, #tpu.memory_space<vmem>>, vector<16x200x80xf32>
    %roll3A = arith.constant 199 : i32
    %roll3A_3 = tpu.dynamic_rotate %get3A_2 by %roll3A dim 1 : vector<16x200x80xf32>, i32 -> vector<16x200x80xf32>
    %roll3A_4 = arith.constant 198 : i32
    %roll3A_5 = tpu.dynamic_rotate %get3A_2 by %roll3A_4 dim 1 : vector<16x200x80xf32>, i32 -> vector<16x200x80xf32>
    %get3A_6 = arith.constant 0 : index
    %get3A_7 = arith.constant 0 : index
    %get3A_8 = arith.constant 0 : index
    %get3A_9 = vector.load %arg2[%get3A_6, %get3A_7, %get3A_8] : memref<3x80x128xf32, #tpu.memory_space<vmem>>, vector<1x80x128xf32>
    %get3A_10 = vector.shape_cast %get3A_9 : vector<1x80x128xf32> to vector<80x128xf32>
    %reshape3A = vector.shape_cast %get3A_2 : vector<16x200x80xf32> to vector<3200x80xf32>
    %dot_general3A = arith.constant dense<0.000000e+00> : vector<3200x128xf32>
    %dot_general3A_11 = tpu.matmul %reshape3A, %get3A_10, %dot_general3A {dimension_numbers = #tpu.dot_dimension_numbers<[1], [0], [0], [1], [0, 0, 1, 1], [], []>, transpose_lhs_hint = false} : vector<3200x80xf32>, vector<80x128xf32>, vector<3200x128xf32> -> vector<3200x128xf32>
    %reshape3A_12 = vector.shape_cast %dot_general3A_11 : vector<3200x128xf32> to vector<16x200x128xf32>
    %get3A_13 = arith.constant 1 : index
    %get3A_14 = arith.constant 0 : index
    %get3A_15 = arith.constant 0 : index
    %get3A_16 = vector.load %arg2[%get3A_13, %get3A_14, %get3A_15] : memref<3x80x128xf32, #tpu.memory_space<vmem>>, vector<1x80x128xf32>
    %get3A_17 = vector.shape_cast %get3A_16 : vector<1x80x128xf32> to vector<80x128xf32>
    %reshape3A_18 = vector.shape_cast %roll3A_3 : vector<16x200x80xf32> to vector<3200x80xf32>
    %dot_general3A_19 = arith.constant dense<0.000000e+00> : vector<3200x128xf32>
    %dot_general3A_20 = tpu.matmul %reshape3A_18, %get3A_17, %dot_general3A_19 {dimension_numbers = #tpu.dot_dimension_numbers<[1], [0], [0], [1], [0, 0, 1, 1], [], []>, transpose_lhs_hint = false} : vector<3200x80xf32>, vector<80x128xf32>, vector<3200x128xf32> -> vector<3200x128xf32>
    %reshape3A_21 = vector.shape_cast %dot_general3A_20 : vector<3200x128xf32> to vector<16x200x128xf32>
    %add3A = arith.addf %reshape3A_12, %reshape3A_21 : vector<16x200x128xf32>
    %get3A_22 = arith.constant 2 : index
    %get3A_23 = arith.constant 0 : index
    %get3A_24 = arith.constant 0 : index
    %get3A_25 = vector.load %arg2[%get3A_22, %get3A_23, %get3A_24] : memref<3x80x128xf32, #tpu.memory_space<vmem>>, vector<1x80x128xf32>
    %get3A_26 = vector.shape_cast %get3A_25 : vector<1x80x128xf32> to vector<80x128xf32>
    %reshape3A_27 = vector.shape_cast %roll3A_5 : vector<16x200x80xf32> to vector<3200x80xf32>
    %dot_general3A_28 = arith.constant dense<0.000000e+00> : vector<3200x128xf32>
    %dot_general3A_29 = tpu.matmul %reshape3A_27, %get3A_26, %dot_general3A_28 {dimension_numbers = #tpu.dot_dimension_numbers<[1], [0], [0], [1], [0, 0, 1, 1], [], []>, transpose_lhs_hint = false} : vector<3200x80xf32>, vector<80x128xf32>, vector<3200x128xf32> -> vector<3200x128xf32>
    %reshape3A_30 = vector.shape_cast %dot_general3A_29 : vector<3200x128xf32> to vector<16x200x128xf32>
    %add3A_31 = arith.addf %add3A, %reshape3A_30 : vector<16x200x128xf32>
    %get3A_32 = arith.constant 0 : index
    %get3A_33 = arith.constant 0 : index
    %get3A_34 = vector.load %arg3[%get3A_32, %get3A_33] : memref<8x128xf32, #tpu.memory_space<vmem>>, vector<1x128xf32>
    %broadcast_in_dim3A = vector.shape_cast %get3A_34 : vector<1x128xf32> to vector<1x1x128xf32>
    %add3A_35 = vector.broadcast %broadcast_in_dim3A : vector<1x1x128xf32> to vector<16x200x128xf32>
    %add3A_36 = arith.addf %add3A_31, %add3A_35 : vector<16x200x128xf32>
    %bitcast_convert_type3A = tpu.bitcast %add3A_36 : vector<16x200x128xf32> -> vector<16x200x128xi32>
    %iota3A = tpu.iota {dimensions = array<i32: 1>} : vector<16x200x128xi32>
    %ge3A = arith.constant 0 : i32
    %ge3A_37 = vector.broadcast %ge3A : i32 to vector<16x200x128xi32>
    %ge3A_38 = arith.cmpi sge, %bitcast_convert_type3A, %ge3A_37 : vector<16x200x128xi32>
    %sub3A = arith.constant 255 : i32
    %sub3A_39 = vector.broadcast %sub3A : i32 to vector<16x200x128xi32>
    %sub3A_40 = arith.subi %sub3A_39, %iota3A : vector<16x200x128xi32>
    %select_n3A = arith.select %ge3A_38, %sub3A_40, %iota3A : vector<16x200x128xi1>, vector<16x200x128xi32>
    %not3A = arith.constant 255 : i32
    %not3A_41 = arith.constant -1 : i32
    %not3A_42 = arith.xori %not3A, %not3A_41 : i32
    %and3A = vector.broadcast %not3A_42 : i32 to vector<16x200x128xi32>
    %and3A_43 = arith.andi %bitcast_convert_type3A, %and3A : vector<16x200x128xi32>
    %or3A = arith.ori %and3A_43, %select_n3A : vector<16x200x128xi32>
    %bitcast_convert_type3A_44 = tpu.bitcast %or3A : vector<16x200x128xi32> -> vector<16x200x128xf32>
    %iota3A_45 = tpu.iota {dimensions = array<i32: 1>} : vector<16x8x128xi32>
    %lt3A = arith.constant 6 : i32
    %lt3A_46 = vector.broadcast %lt3A : i32 to vector<16x8x128xi32>
    %lt3A_47 = arith.cmpi slt, %iota3A_45, %lt3A_46 : vector<16x8x128xi32>
    %slice3A = vector.extract_strided_slice %bitcast_convert_type3A_44 {offsets = [0, 192, 0], sizes = [16, 8, 128], strides = [1, 1, 1]} : vector<16x200x128xf32> to vector<16x8x128xf32>
    %jit3A = arith.constant -3.40282347E+38 : f32
    %broadcast_in_dim3A_48 = vector.broadcast %jit3A : f32 to vector<16x8x128xf32>
    %select_n3A_49 = arith.select %lt3A_47, %slice3A, %broadcast_in_dim3A_48 : vector<16x8x128xi1>, vector<16x8x128xf32>
    %broadcast_in_dim3A_50 = arith.constant -3.40282347E+38 : f32
    %broadcast_in_dim3A_51 = vector.broadcast %broadcast_in_dim3A_50 : f32 to vector<16x24x128xf32>
    %slice3A_52 = vector.extract_strided_slice %bitcast_convert_type3A_44 {offsets = [0, 0, 0], sizes = [16, 192, 128], strides = [1, 1, 1]} : vector<16x200x128xf32> to vector<16x192x128xf32>
    %concatenate3A = tpu.concatenate %slice3A_52, %select_n3A_49, %broadcast_in_dim3A_51 in 1 : vector<16x192x128xf32>, vector<16x8x128xf32>, vector<16x24x128xf32> -> vector<16x224x128xf32>
    %slice3A_53 = vector.extract_strided_slice %concatenate3A {offsets = [0, 0, 0], sizes = [16, 56, 128], strides = [1, 1, 1]} : vector<16x224x128xf32> to vector<16x56x128xf32>
    %slice3A_54 = vector.extract_strided_slice %concatenate3A {offsets = [0, 56, 0], sizes = [16, 56, 128], strides = [1, 1, 1]} : vector<16x224x128xf32> to vector<16x56x128xf32>
    %slice3A_55 = vector.extract_strided_slice %concatenate3A {offsets = [0, 112, 0], sizes = [16, 56, 128], strides = [1, 1, 1]} : vector<16x224x128xf32> to vector<16x56x128xf32>
    %slice3A_56 = vector.extract_strided_slice %concatenate3A {offsets = [0, 168, 0], sizes = [16, 56, 128], strides = [1, 1, 1]} : vector<16x224x128xf32> to vector<16x56x128xf32>
    %max3A = arith.maximumf %slice3A_53, %slice3A_54 : vector<16x56x128xf32>
    %min3A = arith.minimumf %slice3A_53, %slice3A_54 : vector<16x56x128xf32>
    %max3A_57 = arith.maximumf %slice3A_55, %slice3A_56 : vector<16x56x128xf32>
    %min3A_58 = arith.minimumf %slice3A_55, %slice3A_56 : vector<16x56x128xf32>
    %max3A_59 = arith.maximumf %max3A, %max3A_57 : vector<16x56x128xf32>
    %min3A_60 = arith.minimumf %max3A, %max3A_57 : vector<16x56x128xf32>
    %max3A_61 = arith.maximumf %min3A, %min3A_58 : vector<16x56x128xf32>
    %min3A_62 = arith.minimumf %min3A, %min3A_58 : vector<16x56x128xf32>
    %max3A_63 = arith.maximumf %max3A_61, %min3A_60 : vector<16x56x128xf32>
    %min3A_64 = arith.minimumf %max3A_61, %min3A_60 : vector<16x56x128xf32>
    %scan3A = arith.constant 0 : i32
    %reduce_max3A = arith.constant dense<0xFF800000> : vector<16x128xf32>
    %reduce_max3A_65 = vector.multi_reduction <maximumf>, %max3A_59, %reduce_max3A [1] : vector<16x56x128xf32> to vector<16x128xf32>
    %broadcast_in_dim3A_66 = vector.shape_cast %reduce_max3A_65 : vector<16x128xf32> to vector<16x1x128xf32>
    %swap3A = arith.constant 0 : index
    %swap3A_67 = arith.index_cast %scan3A : i32 to index
    %swap3A_68 = arith.constant 0 : index
    %swap3A_69 = vector.load %arg7[%swap3A, %swap3A_67, %swap3A_68] : memref<16x56x128xf32, #tpu.memory_space<vmem>>, vector<16x1x128xf32>
    tpu.vector_store %arg7[%swap3A, %swap3A_67, %swap3A_68], %broadcast_in_dim3A_66 {strides = array<i32>} : memref<16x56x128xf32, #tpu.memory_space<vmem>>, vector<16x1x128xf32>,
    %eq3A = vector.broadcast %broadcast_in_dim3A_66 : vector<16x1x128xf32> to vector<16x56x128xf32>
    %eq3A_70 = arith.cmpf oeq, %max3A_59, %eq3A : vector<16x56x128xf32>
    %select_n3A_71 = arith.select %eq3A_70, %max3A_63, %max3A_59 : vector<16x56x128xi1>, vector<16x56x128xf32>
    %select_n3A_72 = arith.select %eq3A_70, %min3A_64, %max3A_63 : vector<16x56x128xi1>, vector<16x56x128xf32>
    %select_n3A_73 = arith.select %eq3A_70, %min3A_62, %min3A_64 : vector<16x56x128xi1>, vector<16x56x128xf32>
    %jit3A_74 = arith.constant -3.40282347E+38 : f32
    %broadcast_in_dim3A_75 = vector.broadcast %jit3A_74 : f32 to vector<16x56x128xf32>
    %select_n3A_76 = arith.select %eq3A_70, %broadcast_in_dim3A_75, %min3A_62 : vector<16x56x128xi1>, vector<16x56x128xf32>
    %scan3A_77 = arith.constant 1 : i32
    %reduce_max3A_78 = arith.constant dense<0xFF800000> : vector<16x128xf32>
    %reduce_max3A_79 = vector.multi_reduction <maximumf>, %select_n3A_71, %reduce_max3A_78 [1] : vector<16x56x128xf32> to vector<16x128xf32>
    %broadcast_in_dim3A_80 = vector.shape_cast %reduce_max3A_79 : vector<16x128xf32> to vector<16x1x128xf32>
    %swap3A_81 = arith.constant 0 : index
    %swap3A_82 = arith.index_cast %scan3A_77 : i32 to index
    %swap3A_83 = arith.constant 0 : index
    %swap3A_84 = vector.load %arg7[%swap3A_81, %swap3A_82, %swap3A_83] : memref<16x56x128xf32, #tpu.memory_space<vmem>>, vector<16x1x128xf32>
    tpu.vector_store %arg7[%swap3A_81, %swap3A_82, %swap3A_83], %broadcast_in_dim3A_80 {strides = array<i32>} : memref<16x56x128xf32, #tpu.memory_space<vmem>>, vector<16x1x128xf32>,
    %eq3A_85 = vector.broadcast %broadcast_in_dim3A_80 : vector<16x1x128xf32> to vector<16x56x128xf32>
    %eq3A_86 = arith.cmpf oeq, %select_n3A_71, %eq3A_85 : vector<16x56x128xf32>
    %select_n3A_87 = arith.select %eq3A_86, %select_n3A_72, %select_n3A_71 : vector<16x56x128xi1>, vector<16x56x128xf32>
    %select_n3A_88 = arith.select %eq3A_86, %select_n3A_73, %select_n3A_72 : vector<16x56x128xi1>, vector<16x56x128xf32>
    %select_n3A_89 = arith.select %eq3A_86, %select_n3A_76, %select_n3A_73 : vector<16x56x128xi1>, vector<16x56x128xf32>
    %jit3A_90 = arith.constant -3.40282347E+38 : f32
    %broadcast_in_dim3A_91 = vector.broadcast %jit3A_90 : f32 to vector<16x56x128xf32>
    %select_n3A_92 = arith.select %eq3A_86, %broadcast_in_dim3A_91, %select_n3A_76 : vector<16x56x128xi1>, vector<16x56x128xf32>
    %scan3A_93 = arith.constant 2 : i32
    %reduce_max3A_94 = arith.constant dense<0xFF800000> : vector<16x128xf32>
    %reduce_max3A_95 = vector.multi_reduction <maximumf>, %select_n3A_87, %reduce_max3A_94 [1] : vector<16x56x128xf32> to vector<16x128xf32>
    %broadcast_in_dim3A_96 = vector.shape_cast %reduce_max3A_95 : vector<16x128xf32> to vector<16x1x128xf32>
    %swap3A_97 = arith.constant 0 : index
    %swap3A_98 = arith.index_cast %scan3A_93 : i32 to index
    %swap3A_99 = arith.constant 0 : index
    %swap3A_100 = vector.load %arg7[%swap3A_97, %swap3A_98, %swap3A_99] : memref<16x56x128xf32, #tpu.memory_space<vmem>>, vector<16x1x128xf32>
    tpu.vector_store %arg7[%swap3A_97, %swap3A_98, %swap3A_99], %broadcast_in_dim3A_96 {strides = array<i32>} : memref<16x56x128xf32, #tpu.memory_space<vmem>>, vector<16x1x128xf32>,
    %eq3A_101 = vector.broadcast %broadcast_in_dim3A_96 : vector<16x1x128xf32> to vector<16x56x128xf32>
    %eq3A_102 = arith.cmpf oeq, %select_n3A_87, %eq3A_101 : vector<16x56x128xf32>
    %select_n3A_103 = arith.select %eq3A_102, %select_n3A_88, %select_n3A_87 : vector<16x56x128xi1>, vector<16x56x128xf32>
    %select_n3A_104 = arith.select %eq3A_102, %select_n3A_89, %select_n3A_88 : vector<16x56x128xi1>, vector<16x56x128xf32>
    %select_n3A_105 = arith.select %eq3A_102, %select_n3A_92, %select_n3A_89 : vector<16x56x128xi1>, vector<16x56x128xf32>
    %jit3A_106 = arith.constant -3.40282347E+38 : f32
    %broadcast_in_dim3A_107 = vector.broadcast %jit3A_106 : f32 to vector<16x56x128xf32>
    %select_n3A_108 = arith.select %eq3A_102, %broadcast_in_dim3A_107, %select_n3A_92 : vector<16x56x128xi1>, vector<16x56x128xf32>
    %scan3A_109 = arith.constant 3 : i32
    %reduce_max3A_110 = arith.constant dense<0xFF800000> : vector<16x128xf32>
    %reduce_max3A_111 = vector.multi_reduction <maximumf>, %select_n3A_103, %reduce_max3A_110 [1] : vector<16x56x128xf32> to vector<16x128xf32>
    %broadcast_in_dim3A_112 = vector.shape_cast %reduce_max3A_111 : vector<16x128xf32> to vector<16x1x128xf32>
    %swap3A_113 = arith.constant 0 : index
    %swap3A_114 = arith.index_cast %scan3A_109 : i32 to index
    %swap3A_115 = arith.constant 0 : index
    %swap3A_116 = vector.load %arg7[%swap3A_113, %swap3A_114, %swap3A_115] : memref<16x56x128xf32, #tpu.memory_space<vmem>>, vector<16x1x128xf32>
    tpu.vector_store %arg7[%swap3A_113, %swap3A_114, %swap3A_115], %broadcast_in_dim3A_112 {strides = array<i32>} : memref<16x56x128xf32, #tpu.memory_space<vmem>>, vector<16x1x128xf32>,
    %eq3A_117 = vector.broadcast %broadcast_in_dim3A_112 : vector<16x1x128xf32> to vector<16x56x128xf32>
    %eq3A_118 = arith.cmpf oeq, %select_n3A_103, %eq3A_117 : vector<16x56x128xf32>
    %select_n3A_119 = arith.select %eq3A_118, %select_n3A_104, %select_n3A_103 : vector<16x56x128xi1>, vector<16x56x128xf32>
    %select_n3A_120 = arith.select %eq3A_118, %select_n3A_105, %select_n3A_104 : vector<16x56x128xi1>, vector<16x56x128xf32>
    %select_n3A_121 = arith.select %eq3A_118, %select_n3A_108, %select_n3A_105 : vector<16x56x128xi1>, vector<16x56x128xf32>
    %jit3A_122 = arith.constant -3.40282347E+38 : f32
    %broadcast_in_dim3A_123 = vector.broadcast %jit3A_122 : f32 to vector<16x56x128xf32>
    %select_n3A_124 = arith.select %eq3A_118, %broadcast_in_dim3A_123, %select_n3A_108 : vector<16x56x128xi1>, vector<16x56x128xf32>
    %scan3A_125 = arith.constant 4 : i32
    %reduce_max3A_126 = arith.constant dense<0xFF800000> : vector<16x128xf32>
    %reduce_max3A_127 = vector.multi_reduction <maximumf>, %select_n3A_119, %reduce_max3A_126 [1] : vector<16x56x128xf32> to vector<16x128xf32>
    %broadcast_in_dim3A_128 = vector.shape_cast %reduce_max3A_127 : vector<16x128xf32> to vector<16x1x128xf32>
    %swap3A_129 = arith.constant 0 : index
    %swap3A_130 = arith.index_cast %scan3A_125 : i32 to index
    %swap3A_131 = arith.constant 0 : index
    %swap3A_132 = vector.load %arg7[%swap3A_129, %swap3A_130, %swap3A_131] : memref<16x56x128xf32, #tpu.memory_space<vmem>>, vector<16x1x128xf32>
    tpu.vector_store %arg7[%swap3A_129, %swap3A_130, %swap3A_131], %broadcast_in_dim3A_128 {strides = array<i32>} : memref<16x56x128xf32, #tpu.memory_space<vmem>>, vector<16x1x128xf32>,
    %eq3A_133 = vector.broadcast %broadcast_in_dim3A_128 : vector<16x1x128xf32> to vector<16x56x128xf32>
    %eq3A_134 = arith.cmpf oeq, %select_n3A_119, %eq3A_133 : vector<16x56x128xf32>
    %select_n3A_135 = arith.select %eq3A_134, %select_n3A_120, %select_n3A_119 : vector<16x56x128xi1>, vector<16x56x128xf32>
    %select_n3A_136 = arith.select %eq3A_134, %select_n3A_121, %select_n3A_120 : vector<16x56x128xi1>, vector<16x56x128xf32>
    %select_n3A_137 = arith.select %eq3A_134, %select_n3A_124, %select_n3A_121 : vector<16x56x128xi1>, vector<16x56x128xf32>
    %jit3A_138 = arith.constant -3.40282347E+38 : f32
    %broadcast_in_dim3A_139 = vector.broadcast %jit3A_138 : f32 to vector<16x56x128xf32>
    %select_n3A_140 = arith.select %eq3A_134, %broadcast_in_dim3A_139, %select_n3A_124 : vector<16x56x128xi1>, vector<16x56x128xf32>
    %scan3A_141 = arith.constant 5 : i32
    %reduce_max3A_142 = arith.constant dense<0xFF800000> : vector<16x128xf32>
    %reduce_max3A_143 = vector.multi_reduction <maximumf>, %select_n3A_135, %reduce_max3A_142 [1] : vector<16x56x128xf32> to vector<16x128xf32>
    %broadcast_in_dim3A_144 = vector.shape_cast %reduce_max3A_143 : vector<16x128xf32> to vector<16x1x128xf32>
    %swap3A_145 = arith.constant 0 : index
    %swap3A_146 = arith.index_cast %scan3A_141 : i32 to index
    %swap3A_147 = arith.constant 0 : index
    %swap3A_148 = vector.load %arg7[%swap3A_145, %swap3A_146, %swap3A_147] : memref<16x56x128xf32, #tpu.memory_space<vmem>>, vector<16x1x128xf32>
    tpu.vector_store %arg7[%swap3A_145, %swap3A_146, %swap3A_147], %broadcast_in_dim3A_144 {strides = array<i32>} : memref<16x56x128xf32, #tpu.memory_space<vmem>>, vector<16x1x128xf32>,
    %eq3A_149 = vector.broadcast %broadcast_in_dim3A_144 : vector<16x1x128xf32> to vector<16x56x128xf32>
    %eq3A_150 = arith.cmpf oeq, %select_n3A_135, %eq3A_149 : vector<16x56x128xf32>
    %select_n3A_151 = arith.select %eq3A_150, %select_n3A_136, %select_n3A_135 : vector<16x56x128xi1>, vector<16x56x128xf32>
    %select_n3A_152 = arith.select %eq3A_150, %select_n3A_137, %select_n3A_136 : vector<16x56x128xi1>, vector<16x56x128xf32>
    %select_n3A_153 = arith.select %eq3A_150, %select_n3A_140, %select_n3A_137 : vector<16x56x128xi1>, vector<16x56x128xf32>
    %jit3A_154 = arith.constant -3.40282347E+38 : f32
    %broadcast_in_dim3A_155 = vector.broadcast %jit3A_154 : f32 to vector<16x56x128xf32>
    %select_n3A_156 = arith.select %eq3A_150, %broadcast_in_dim3A_155, %select_n3A_140 : vector<16x56x128xi1>, vector<16x56x128xf32>
    %scan3A_157 = arith.constant 6 : i32
    %reduce_max3A_158 = arith.constant dense<0xFF800000> : vector<16x128xf32>
    %reduce_max3A_159 = vector.multi_reduction <maximumf>, %select_n3A_151, %reduce_max3A_158 [1] : vector<16x56x128xf32> to vector<16x128xf32>
    %broadcast_in_dim3A_160 = vector.shape_cast %reduce_max3A_159 : vector<16x128xf32> to vector<16x1x128xf32>
    %swap3A_161 = arith.constant 0 : index
    %swap3A_162 = arith.index_cast %scan3A_157 : i32 to index
    %swap3A_163 = arith.constant 0 : index
    %swap3A_164 = vector.load %arg7[%swap3A_161, %swap3A_162, %swap3A_163] : memref<16x56x128xf32, #tpu.memory_space<vmem>>, vector<16x1x128xf32>
    tpu.vector_store %arg7[%swap3A_161, %swap3A_162, %swap3A_163], %broadcast_in_dim3A_160 {strides = array<i32>} : memref<16x56x128xf32, #tpu.memory_space<vmem>>, vector<16x1x128xf32>,
    %eq3A_165 = vector.broadcast %broadcast_in_dim3A_160 : vector<16x1x128xf32> to vector<16x56x128xf32>
    %eq3A_166 = arith.cmpf oeq, %select_n3A_151, %eq3A_165 : vector<16x56x128xf32>
    %select_n3A_167 = arith.select %eq3A_166, %select_n3A_152, %select_n3A_151 : vector<16x56x128xi1>, vector<16x56x128xf32>
    %select_n3A_168 = arith.select %eq3A_166, %select_n3A_153, %select_n3A_152 : vector<16x56x128xi1>, vector<16x56x128xf32>
    %select_n3A_169 = arith.select %eq3A_166, %select_n3A_156, %select_n3A_153 : vector<16x56x128xi1>, vector<16x56x128xf32>
    %jit3A_170 = arith.constant -3.40282347E+38 : f32
    %broadcast_in_dim3A_171 = vector.broadcast %jit3A_170 : f32 to vector<16x56x128xf32>
    %select_n3A_172 = arith.select %eq3A_166, %broadcast_in_dim3A_171, %select_n3A_156 : vector<16x56x128xi1>, vector<16x56x128xf32>
    %scan3A_173 = arith.constant 7 : i32
    %reduce_max3A_174 = arith.constant dense<0xFF800000> : vector<16x128xf32>
    %reduce_max3A_175 = vector.multi_reduction <maximumf>, %select_n3A_167, %reduce_max3A_174 [1] : vector<16x56x128xf32> to vector<16x128xf32>
    %broadcast_in_dim3A_176 = vector.shape_cast %reduce_max3A_175 : vector<16x128xf32> to vector<16x1x128xf32>
    %swap3A_177 = arith.constant 0 : index
    %swap3A_178 = arith.index_cast %scan3A_173 : i32 to index
    %swap3A_179 = arith.constant 0 : index
    %swap3A_180 = vector.load %arg7[%swap3A_177, %swap3A_178, %swap3A_179] : memref<16x56x128xf32, #tpu.memory_space<vmem>>, vector<16x1x128xf32>
    tpu.vector_store %arg7[%swap3A_177, %swap3A_178, %swap3A_179], %broadcast_in_dim3A_176 {strides = array<i32>} : memref<16x56x128xf32, #tpu.memory_space<vmem>>, vector<16x1x128xf32>,
    %eq3A_181 = vector.broadcast %broadcast_in_dim3A_176 : vector<16x1x128xf32> to vector<16x56x128xf32>
    %eq3A_182 = arith.cmpf oeq, %select_n3A_167, %eq3A_181 : vector<16x56x128xf32>
    %select_n3A_183 = arith.select %eq3A_182, %select_n3A_168, %select_n3A_167 : vector<16x56x128xi1>, vector<16x56x128xf32>
    %select_n3A_184 = arith.select %eq3A_182, %select_n3A_169, %select_n3A_168 : vector<16x56x128xi1>, vector<16x56x128xf32>
    %select_n3A_185 = arith.select %eq3A_182, %select_n3A_172, %select_n3A_169 : vector<16x56x128xi1>, vector<16x56x128xf32>
    %jit3A_186 = arith.constant -3.40282347E+38 : f32
    %broadcast_in_dim3A_187 = vector.broadcast %jit3A_186 : f32 to vector<16x56x128xf32>
    %select_n3A_188 = arith.select %eq3A_182, %broadcast_in_dim3A_187, %select_n3A_172 : vector<16x56x128xi1>, vector<16x56x128xf32>
    %scan3A_189 = arith.constant 8 : i32
    %reduce_max3A_190 = arith.constant dense<0xFF800000> : vector<16x128xf32>
    %reduce_max3A_191 = vector.multi_reduction <maximumf>, %select_n3A_183, %reduce_max3A_190 [1] : vector<16x56x128xf32> to vector<16x128xf32>
    %broadcast_in_dim3A_192 = vector.shape_cast %reduce_max3A_191 : vector<16x128xf32> to vector<16x1x128xf32>
    %swap3A_193 = arith.constant 0 : index
    %swap3A_194 = arith.index_cast %scan3A_189 : i32 to index
    %swap3A_195 = arith.constant 0 : index
    %swap3A_196 = vector.load %arg7[%swap3A_193, %swap3A_194, %swap3A_195] : memref<16x56x128xf32, #tpu.memory_space<vmem>>, vector<16x1x128xf32>
    tpu.vector_store %arg7[%swap3A_193, %swap3A_194, %swap3A_195], %broadcast_in_dim3A_192 {strides = array<i32>} : memref<16x56x128xf32, #tpu.memory_space<vmem>>, vector<16x1x128xf32>,
    %eq3A_197 = vector.broadcast %broadcast_in_dim3A_192 : vector<16x1x128xf32> to vector<16x56x128xf32>
    %eq3A_198 = arith.cmpf oeq, %select_n3A_183, %eq3A_197 : vector<16x56x128xf32>
    %select_n3A_199 = arith.select %eq3A_198, %select_n3A_184, %select_n3A_183 : vector<16x56x128xi1>, vector<16x56x128xf32>
    %select_n3A_200 = arith.select %eq3A_198, %select_n3A_185, %select_n3A_184 : vector<16x56x128xi1>, vector<16x56x128xf32>
    %select_n3A_201 = arith.select %eq3A_198, %select_n3A_188, %select_n3A_185 : vector<16x56x128xi1>, vector<16x56x128xf32>
    %jit3A_202 = arith.constant -3.40282347E+38 : f32
    %broadcast_in_dim3A_203 = vector.broadcast %jit3A_202 : f32 to vector<16x56x128xf32>
    %select_n3A_204 = arith.select %eq3A_198, %broadcast_in_dim3A_203, %select_n3A_188 : vector<16x56x128xi1>, vector<16x56x128xf32>
    %scan3A_205 = arith.constant 9 : i32
    %reduce_max3A_206 = arith.constant dense<0xFF800000> : vector<16x128xf32>
    %reduce_max3A_207 = vector.multi_reduction <maximumf>, %select_n3A_199, %reduce_max3A_206 [1] : vector<16x56x128xf32> to vector<16x128xf32>
    %broadcast_in_dim3A_208 = vector.shape_cast %reduce_max3A_207 : vector<16x128xf32> to vector<16x1x128xf32>
    %swap3A_209 = arith.constant 0 : index
    %swap3A_210 = arith.index_cast %scan3A_205 : i32 to index
    %swap3A_211 = arith.constant 0 : index
    %swap3A_212 = vector.load %arg7[%swap3A_209, %swap3A_210, %swap3A_211] : memref<16x56x128xf32, #tpu.memory_space<vmem>>, vector<16x1x128xf32>
    tpu.vector_store %arg7[%swap3A_209, %swap3A_210, %swap3A_211], %broadcast_in_dim3A_208 {strides = array<i32>} : memref<16x56x128xf32, #tpu.memory_space<vmem>>, vector<16x1x128xf32>,
    %eq3A_213 = vector.broadcast %broadcast_in_dim3A_208 : vector<16x1x128xf32> to vector<16x56x128xf32>
    %eq3A_214 = arith.cmpf oeq, %select_n3A_199, %eq3A_213 : vector<16x56x128xf32>
    %select_n3A_215 = arith.select %eq3A_214, %select_n3A_200, %select_n3A_199 : vector<16x56x128xi1>, vector<16x56x128xf32>
    %select_n3A_216 = arith.select %eq3A_214, %select_n3A_201, %select_n3A_200 : vector<16x56x128xi1>, vector<16x56x128xf32>
    %select_n3A_217 = arith.select %eq3A_214, %select_n3A_204, %select_n3A_201 : vector<16x56x128xi1>, vector<16x56x128xf32>
    %jit3A_218 = arith.constant -3.40282347E+38 : f32
    %broadcast_in_dim3A_219 = vector.broadcast %jit3A_218 : f32 to vector<16x56x128xf32>
    %select_n3A_220 = arith.select %eq3A_214, %broadcast_in_dim3A_219, %select_n3A_204 : vector<16x56x128xi1>, vector<16x56x128xf32>
    %scan3A_221 = arith.constant 10 : i32
    %reduce_max3A_222 = arith.constant dense<0xFF800000> : vector<16x128xf32>
    %reduce_max3A_223 = vector.multi_reduction <maximumf>, %select_n3A_215, %reduce_max3A_222 [1] : vector<16x56x128xf32> to vector<16x128xf32>
    %broadcast_in_dim3A_224 = vector.shape_cast %reduce_max3A_223 : vector<16x128xf32> to vector<16x1x128xf32>
    %swap3A_225 = arith.constant 0 : index
    %swap3A_226 = arith.index_cast %scan3A_221 : i32 to index
    %swap3A_227 = arith.constant 0 : index
    %swap3A_228 = vector.load %arg7[%swap3A_225, %swap3A_226, %swap3A_227] : memref<16x56x128xf32, #tpu.memory_space<vmem>>, vector<16x1x128xf32>
    tpu.vector_store %arg7[%swap3A_225, %swap3A_226, %swap3A_227], %broadcast_in_dim3A_224 {strides = array<i32>} : memref<16x56x128xf32, #tpu.memory_space<vmem>>, vector<16x1x128xf32>,
    %eq3A_229 = vector.broadcast %broadcast_in_dim3A_224 : vector<16x1x128xf32> to vector<16x56x128xf32>
    %eq3A_230 = arith.cmpf oeq, %select_n3A_215, %eq3A_229 : vector<16x56x128xf32>
    %select_n3A_231 = arith.select %eq3A_230, %select_n3A_216, %select_n3A_215 : vector<16x56x128xi1>, vector<16x56x128xf32>
    %select_n3A_232 = arith.select %eq3A_230, %select_n3A_217, %select_n3A_216 : vector<16x56x128xi1>, vector<16x56x128xf32>
    %select_n3A_233 = arith.select %eq3A_230, %select_n3A_220, %select_n3A_217 : vector<16x56x128xi1>, vector<16x56x128xf32>
    %jit3A_234 = arith.constant -3.40282347E+38 : f32
    %broadcast_in_dim3A_235 = vector.broadcast %jit3A_234 : f32 to vector<16x56x128xf32>
    %select_n3A_236 = arith.select %eq3A_230, %broadcast_in_dim3A_235, %select_n3A_220 : vector<16x56x128xi1>, vector<16x56x128xf32>
    %scan3A_237 = arith.constant 11 : i32
    %reduce_max3A_238 = arith.constant dense<0xFF800000> : vector<16x128xf32>
    %reduce_max3A_239 = vector.multi_reduction <maximumf>, %select_n3A_231, %reduce_max3A_238 [1] : vector<16x56x128xf32> to vector<16x128xf32>
    %broadcast_in_dim3A_240 = vector.shape_cast %reduce_max3A_239 : vector<16x128xf32> to vector<16x1x128xf32>
    %swap3A_241 = arith.constant 0 : index
    %swap3A_242 = arith.index_cast %scan3A_237 : i32 to index
    %swap3A_243 = arith.constant 0 : index
    %swap3A_244 = vector.load %arg7[%swap3A_241, %swap3A_242, %swap3A_243] : memref<16x56x128xf32, #tpu.memory_space<vmem>>, vector<16x1x128xf32>
    tpu.vector_store %arg7[%swap3A_241, %swap3A_242, %swap3A_243], %broadcast_in_dim3A_240 {strides = array<i32>} : memref<16x56x128xf32, #tpu.memory_space<vmem>>, vector<16x1x128xf32>,
    %eq3A_245 = vector.broadcast %broadcast_in_dim3A_240 : vector<16x1x128xf32> to vector<16x56x128xf32>
    %eq3A_246 = arith.cmpf oeq, %select_n3A_231, %eq3A_245 : vector<16x56x128xf32>
    %select_n3A_247 = arith.select %eq3A_246, %select_n3A_232, %select_n3A_231 : vector<16x56x128xi1>, vector<16x56x128xf32>
    %select_n3A_248 = arith.select %eq3A_246, %select_n3A_233, %select_n3A_232 : vector<16x56x128xi1>, vector<16x56x128xf32>
    %select_n3A_249 = arith.select %eq3A_246, %select_n3A_236, %select_n3A_233 : vector<16x56x128xi1>, vector<16x56x128xf32>
    %jit3A_250 = arith.constant -3.40282347E+38 : f32
    %broadcast_in_dim3A_251 = vector.broadcast %jit3A_250 : f32 to vector<16x56x128xf32>
    %select_n3A_252 = arith.select %eq3A_246, %broadcast_in_dim3A_251, %select_n3A_236 : vector<16x56x128xi1>, vector<16x56x128xf32>
    %scan3A_253 = arith.constant 12 : i32
    %reduce_max3A_254 = arith.constant dense<0xFF800000> : vector<16x128xf32>
    %reduce_max3A_255 = vector.multi_reduction <maximumf>, %select_n3A_247, %reduce_max3A_254 [1] : vector<16x56x128xf32> to vector<16x128xf32>
    %broadcast_in_dim3A_256 = vector.shape_cast %reduce_max3A_255 : vector<16x128xf32> to vector<16x1x128xf32>
    %swap3A_257 = arith.constant 0 : index
    %swap3A_258 = arith.index_cast %scan3A_253 : i32 to index
    %swap3A_259 = arith.constant 0 : index
    %swap3A_260 = vector.load %arg7[%swap3A_257, %swap3A_258, %swap3A_259] : memref<16x56x128xf32, #tpu.memory_space<vmem>>, vector<16x1x128xf32>
    tpu.vector_store %arg7[%swap3A_257, %swap3A_258, %swap3A_259], %broadcast_in_dim3A_256 {strides = array<i32>} : memref<16x56x128xf32, #tpu.memory_space<vmem>>, vector<16x1x128xf32>,
    %eq3A_261 = vector.broadcast %broadcast_in_dim3A_256 : vector<16x1x128xf32> to vector<16x56x128xf32>
    %eq3A_262 = arith.cmpf oeq, %select_n3A_247, %eq3A_261 : vector<16x56x128xf32>
    %select_n3A_263 = arith.select %eq3A_262, %select_n3A_248, %select_n3A_247 : vector<16x56x128xi1>, vector<16x56x128xf32>
    %select_n3A_264 = arith.select %eq3A_262, %select_n3A_249, %select_n3A_248 : vector<16x56x128xi1>, vector<16x56x128xf32>
    %select_n3A_265 = arith.select %eq3A_262, %select_n3A_252, %select_n3A_249 : vector<16x56x128xi1>, vector<16x56x128xf32>
    %jit3A_266 = arith.constant -3.40282347E+38 : f32
    %broadcast_in_dim3A_267 = vector.broadcast %jit3A_266 : f32 to vector<16x56x128xf32>
    %select_n3A_268 = arith.select %eq3A_262, %broadcast_in_dim3A_267, %select_n3A_252 : vector<16x56x128xi1>, vector<16x56x128xf32>
    %scan3A_269 = arith.constant 13 : i32
    %reduce_max3A_270 = arith.constant dense<0xFF800000> : vector<16x128xf32>
    %reduce_max3A_271 = vector.multi_reduction <maximumf>, %select_n3A_263, %reduce_max3A_270 [1] : vector<16x56x128xf32> to vector<16x128xf32>
    %broadcast_in_dim3A_272 = vector.shape_cast %reduce_max3A_271 : vector<16x128xf32> to vector<16x1x128xf32>
    %swap3A_273 = arith.constant 0 : index
    %swap3A_274 = arith.index_cast %scan3A_269 : i32 to index
    %swap3A_275 = arith.constant 0 : index
    %swap3A_276 = vector.load %arg7[%swap3A_273, %swap3A_274, %swap3A_275] : memref<16x56x128xf32, #tpu.memory_space<vmem>>, vector<16x1x128xf32>
    tpu.vector_store %arg7[%swap3A_273, %swap3A_274, %swap3A_275], %broadcast_in_dim3A_272 {strides = array<i32>} : memref<16x56x128xf32, #tpu.memory_space<vmem>>, vector<16x1x128xf32>,
    %eq3A_277 = vector.broadcast %broadcast_in_dim3A_272 : vector<16x1x128xf32> to vector<16x56x128xf32>
    %eq3A_278 = arith.cmpf oeq, %select_n3A_263, %eq3A_277 : vector<16x56x128xf32>
    %select_n3A_279 = arith.select %eq3A_278, %select_n3A_264, %select_n3A_263 : vector<16x56x128xi1>, vector<16x56x128xf32>
    %select_n3A_280 = arith.select %eq3A_278, %select_n3A_265, %select_n3A_264 : vector<16x56x128xi1>, vector<16x56x128xf32>
    %select_n3A_281 = arith.select %eq3A_278, %select_n3A_268, %select_n3A_265 : vector<16x56x128xi1>, vector<16x56x128xf32>
    %jit3A_282 = arith.constant -3.40282347E+38 : f32
    %broadcast_in_dim3A_283 = vector.broadcast %jit3A_282 : f32 to vector<16x56x128xf32>
    %select_n3A_284 = arith.select %eq3A_278, %broadcast_in_dim3A_283, %select_n3A_268 : vector<16x56x128xi1>, vector<16x56x128xf32>
    %scan3A_285 = arith.constant 14 : i32
    %reduce_max3A_286 = arith.constant dense<0xFF800000> : vector<16x128xf32>
    %reduce_max3A_287 = vector.multi_reduction <maximumf>, %select_n3A_279, %reduce_max3A_286 [1] : vector<16x56x128xf32> to vector<16x128xf32>
    %broadcast_in_dim3A_288 = vector.shape_cast %reduce_max3A_287 : vector<16x128xf32> to vector<16x1x128xf32>
    %swap3A_289 = arith.constant 0 : index
    %swap3A_290 = arith.index_cast %scan3A_285 : i32 to index
    %swap3A_291 = arith.constant 0 : index
    %swap3A_292 = vector.load %arg7[%swap3A_289, %swap3A_290, %swap3A_291] : memref<16x56x128xf32, #tpu.memory_space<vmem>>, vector<16x1x128xf32>
    tpu.vector_store %arg7[%swap3A_289, %swap3A_290, %swap3A_291], %broadcast_in_dim3A_288 {strides = array<i32>} : memref<16x56x128xf32, #tpu.memory_space<vmem>>, vector<16x1x128xf32>,
    %eq3A_293 = vector.broadcast %broadcast_in_dim3A_288 : vector<16x1x128xf32> to vector<16x56x128xf32>
    %eq3A_294 = arith.cmpf oeq, %select_n3A_279, %eq3A_293 : vector<16x56x128xf32>
    %select_n3A_295 = arith.select %eq3A_294, %select_n3A_280, %select_n3A_279 : vector<16x56x128xi1>, vector<16x56x128xf32>
    %select_n3A_296 = arith.select %eq3A_294, %select_n3A_281, %select_n3A_280 : vector<16x56x128xi1>, vector<16x56x128xf32>
    %select_n3A_297 = arith.select %eq3A_294, %select_n3A_284, %select_n3A_281 : vector<16x56x128xi1>, vector<16x56x128xf32>
    %jit3A_298 = arith.constant -3.40282347E+38 : f32
    %broadcast_in_dim3A_299 = vector.broadcast %jit3A_298 : f32 to vector<16x56x128xf32>
    %select_n3A_300 = arith.select %eq3A_294, %broadcast_in_dim3A_299, %select_n3A_284 : vector<16x56x128xi1>, vector<16x56x128xf32>
    %scan3A_301 = arith.constant 15 : i32
    %reduce_max3A_302 = arith.constant dense<0xFF800000> : vector<16x128xf32>
    %reduce_max3A_303 = vector.multi_reduction <maximumf>, %select_n3A_295, %reduce_max3A_302 [1] : vector<16x56x128xf32> to vector<16x128xf32>
    %broadcast_in_dim3A_304 = vector.shape_cast %reduce_max3A_303 : vector<16x128xf32> to vector<16x1x128xf32>
    %swap3A_305 = arith.constant 0 : index
    %swap3A_306 = arith.index_cast %scan3A_301 : i32 to index
    %swap3A_307 = arith.constant 0 : index
    %swap3A_308 = vector.load %arg7[%swap3A_305, %swap3A_306, %swap3A_307] : memref<16x56x128xf32, #tpu.memory_space<vmem>>, vector<16x1x128xf32>
    tpu.vector_store %arg7[%swap3A_305, %swap3A_306, %swap3A_307], %broadcast_in_dim3A_304 {strides = array<i32>} : memref<16x56x128xf32, #tpu.memory_space<vmem>>, vector<16x1x128xf32>,
    %eq3A_309 = vector.broadcast %broadcast_in_dim3A_304 : vector<16x1x128xf32> to vector<16x56x128xf32>
    %eq3A_310 = arith.cmpf oeq, %select_n3A_295, %eq3A_309 : vector<16x56x128xf32>
    %select_n3A_311 = arith.select %eq3A_310, %select_n3A_296, %select_n3A_295 : vector<16x56x128xi1>, vector<16x56x128xf32>
    %select_n3A_312 = arith.select %eq3A_310, %select_n3A_297, %select_n3A_296 : vector<16x56x128xi1>, vector<16x56x128xf32>
    %select_n3A_313 = arith.select %eq3A_310, %select_n3A_300, %select_n3A_297 : vector<16x56x128xi1>, vector<16x56x128xf32>
    %jit3A_314 = arith.constant -3.40282347E+38 : f32
    %broadcast_in_dim3A_315 = vector.broadcast %jit3A_314 : f32 to vector<16x56x128xf32>
    %select_n3A_316 = arith.select %eq3A_310, %broadcast_in_dim3A_315, %select_n3A_300 : vector<16x56x128xi1>, vector<16x56x128xf32>
    %scan3A_317 = arith.constant 16 : i32
    %reduce_max3A_318 = arith.constant dense<0xFF800000> : vector<16x128xf32>
    %reduce_max3A_319 = vector.multi_reduction <maximumf>, %select_n3A_311, %reduce_max3A_318 [1] : vector<16x56x128xf32> to vector<16x128xf32>
    %broadcast_in_dim3A_320 = vector.shape_cast %reduce_max3A_319 : vector<16x128xf32> to vector<16x1x128xf32>
    %swap3A_321 = arith.constant 0 : index
    %swap3A_322 = arith.index_cast %scan3A_317 : i32 to index
    %swap3A_323 = arith.constant 0 : index
    %swap3A_324 = vector.load %arg7[%swap3A_321, %swap3A_322, %swap3A_323] : memref<16x56x128xf32, #tpu.memory_space<vmem>>, vector<16x1x128xf32>
    tpu.vector_store %arg7[%swap3A_321, %swap3A_322, %swap3A_323], %broadcast_in_dim3A_320 {strides = array<i32>} : memref<16x56x128xf32, #tpu.memory_space<vmem>>, vector<16x1x128xf32>,
    %eq3A_325 = vector.broadcast %broadcast_in_dim3A_320 : vector<16x1x128xf32> to vector<16x56x128xf32>
    %eq3A_326 = arith.cmpf oeq, %select_n3A_311, %eq3A_325 : vector<16x56x128xf32>
    %select_n3A_327 = arith.select %eq3A_326, %select_n3A_312, %select_n3A_311 : vector<16x56x128xi1>, vector<16x56x128xf32>
    %select_n3A_328 = arith.select %eq3A_326, %select_n3A_313, %select_n3A_312 : vector<16x56x128xi1>, vector<16x56x128xf32>
    %select_n3A_329 = arith.select %eq3A_326, %select_n3A_316, %select_n3A_313 : vector<16x56x128xi1>, vector<16x56x128xf32>
    %jit3A_330 = arith.constant -3.40282347E+38 : f32
    %broadcast_in_dim3A_331 = vector.broadcast %jit3A_330 : f32 to vector<16x56x128xf32>
    %select_n3A_332 = arith.select %eq3A_326, %broadcast_in_dim3A_331, %select_n3A_316 : vector<16x56x128xi1>, vector<16x56x128xf32>
    %scan3A_333 = arith.constant 17 : i32
    %reduce_max3A_334 = arith.constant dense<0xFF800000> : vector<16x128xf32>
    %reduce_max3A_335 = vector.multi_reduction <maximumf>, %select_n3A_327, %reduce_max3A_334 [1] : vector<16x56x128xf32> to vector<16x128xf32>
    %broadcast_in_dim3A_336 = vector.shape_cast %reduce_max3A_335 : vector<16x128xf32> to vector<16x1x128xf32>
    %swap3A_337 = arith.constant 0 : index
    %swap3A_338 = arith.index_cast %scan3A_333 : i32 to index
    %swap3A_339 = arith.constant 0 : index
    %swap3A_340 = vector.load %arg7[%swap3A_337, %swap3A_338, %swap3A_339] : memref<16x56x128xf32, #tpu.memory_space<vmem>>, vector<16x1x128xf32>
    tpu.vector_store %arg7[%swap3A_337, %swap3A_338, %swap3A_339], %broadcast_in_dim3A_336 {strides = array<i32>} : memref<16x56x128xf32, #tpu.memory_space<vmem>>, vector<16x1x128xf32>,
    %eq3A_341 = vector.broadcast %broadcast_in_dim3A_336 : vector<16x1x128xf32> to vector<16x56x128xf32>
    %eq3A_342 = arith.cmpf oeq, %select_n3A_327, %eq3A_341 : vector<16x56x128xf32>
    %select_n3A_343 = arith.select %eq3A_342, %select_n3A_328, %select_n3A_327 : vector<16x56x128xi1>, vector<16x56x128xf32>
    %select_n3A_344 = arith.select %eq3A_342, %select_n3A_329, %select_n3A_328 : vector<16x56x128xi1>, vector<16x56x128xf32>
    %select_n3A_345 = arith.select %eq3A_342, %select_n3A_332, %select_n3A_329 : vector<16x56x128xi1>, vector<16x56x128xf32>
    %jit3A_346 = arith.constant -3.40282347E+38 : f32
    %broadcast_in_dim3A_347 = vector.broadcast %jit3A_346 : f32 to vector<16x56x128xf32>
    %select_n3A_348 = arith.select %eq3A_342, %broadcast_in_dim3A_347, %select_n3A_332 : vector<16x56x128xi1>, vector<16x56x128xf32>
    %scan3A_349 = arith.constant 18 : i32
    %reduce_max3A_350 = arith.constant dense<0xFF800000> : vector<16x128xf32>
    %reduce_max3A_351 = vector.multi_reduction <maximumf>, %select_n3A_343, %reduce_max3A_350 [1] : vector<16x56x128xf32> to vector<16x128xf32>
    %broadcast_in_dim3A_352 = vector.shape_cast %reduce_max3A_351 : vector<16x128xf32> to vector<16x1x128xf32>
    %swap3A_353 = arith.constant 0 : index
    %swap3A_354 = arith.index_cast %scan3A_349 : i32 to index
    %swap3A_355 = arith.constant 0 : index
    %swap3A_356 = vector.load %arg7[%swap3A_353, %swap3A_354, %swap3A_355] : memref<16x56x128xf32, #tpu.memory_space<vmem>>, vector<16x1x128xf32>
    tpu.vector_store %arg7[%swap3A_353, %swap3A_354, %swap3A_355], %broadcast_in_dim3A_352 {strides = array<i32>} : memref<16x56x128xf32, #tpu.memory_space<vmem>>, vector<16x1x128xf32>,
    %eq3A_357 = vector.broadcast %broadcast_in_dim3A_352 : vector<16x1x128xf32> to vector<16x56x128xf32>
    %eq3A_358 = arith.cmpf oeq, %select_n3A_343, %eq3A_357 : vector<16x56x128xf32>
    %select_n3A_359 = arith.select %eq3A_358, %select_n3A_344, %select_n3A_343 : vector<16x56x128xi1>, vector<16x56x128xf32>
    %select_n3A_360 = arith.select %eq3A_358, %select_n3A_345, %select_n3A_344 : vector<16x56x128xi1>, vector<16x56x128xf32>
    %select_n3A_361 = arith.select %eq3A_358, %select_n3A_348, %select_n3A_345 : vector<16x56x128xi1>, vector<16x56x128xf32>
    %jit3A_362 = arith.constant -3.40282347E+38 : f32
    %broadcast_in_dim3A_363 = vector.broadcast %jit3A_362 : f32 to vector<16x56x128xf32>
    %select_n3A_364 = arith.select %eq3A_358, %broadcast_in_dim3A_363, %select_n3A_348 : vector<16x56x128xi1>, vector<16x56x128xf32>
    %scan3A_365 = arith.constant 19 : i32
    %reduce_max3A_366 = arith.constant dense<0xFF800000> : vector<16x128xf32>
    %reduce_max3A_367 = vector.multi_reduction <maximumf>, %select_n3A_359, %reduce_max3A_366 [1] : vector<16x56x128xf32> to vector<16x128xf32>
    %broadcast_in_dim3A_368 = vector.shape_cast %reduce_max3A_367 : vector<16x128xf32> to vector<16x1x128xf32>
    %swap3A_369 = arith.constant 0 : index
    %swap3A_370 = arith.index_cast %scan3A_365 : i32 to index
    %swap3A_371 = arith.constant 0 : index
    %swap3A_372 = vector.load %arg7[%swap3A_369, %swap3A_370, %swap3A_371] : memref<16x56x128xf32, #tpu.memory_space<vmem>>, vector<16x1x128xf32>
    tpu.vector_store %arg7[%swap3A_369, %swap3A_370, %swap3A_371], %broadcast_in_dim3A_368 {strides = array<i32>} : memref<16x56x128xf32, #tpu.memory_space<vmem>>, vector<16x1x128xf32>,
    %eq3A_373 = vector.broadcast %broadcast_in_dim3A_368 : vector<16x1x128xf32> to vector<16x56x128xf32>
    %eq3A_374 = arith.cmpf oeq, %select_n3A_359, %eq3A_373 : vector<16x56x128xf32>
    %select_n3A_375 = arith.select %eq3A_374, %select_n3A_360, %select_n3A_359 : vector<16x56x128xi1>, vector<16x56x128xf32>
    %select_n3A_376 = arith.select %eq3A_374, %select_n3A_361, %select_n3A_360 : vector<16x56x128xi1>, vector<16x56x128xf32>
    %select_n3A_377 = arith.select %eq3A_374, %select_n3A_364, %select_n3A_361 : vector<16x56x128xi1>, vector<16x56x128xf32>
    %jit3A_378 = arith.constant -3.40282347E+38 : f32
    %broadcast_in_dim3A_379 = vector.broadcast %jit3A_378 : f32 to vector<16x56x128xf32>
    %select_n3A_380 = arith.select %eq3A_374, %broadcast_in_dim3A_379, %select_n3A_364 : vector<16x56x128xi1>, vector<16x56x128xf32>
    %scan3A_381 = arith.constant 20 : i32
    %reduce_max3A_382 = arith.constant dense<0xFF800000> : vector<16x128xf32>
    %reduce_max3A_383 = vector.multi_reduction <maximumf>, %select_n3A_375, %reduce_max3A_382 [1] : vector<16x56x128xf32> to vector<16x128xf32>
    %broadcast_in_dim3A_384 = vector.shape_cast %reduce_max3A_383 : vector<16x128xf32> to vector<16x1x128xf32>
    %swap3A_385 = arith.constant 0 : index
    %swap3A_386 = arith.index_cast %scan3A_381 : i32 to index
    %swap3A_387 = arith.constant 0 : index
    %swap3A_388 = vector.load %arg7[%swap3A_385, %swap3A_386, %swap3A_387] : memref<16x56x128xf32, #tpu.memory_space<vmem>>, vector<16x1x128xf32>
    tpu.vector_store %arg7[%swap3A_385, %swap3A_386, %swap3A_387], %broadcast_in_dim3A_384 {strides = array<i32>} : memref<16x56x128xf32, #tpu.memory_space<vmem>>, vector<16x1x128xf32>,
    %eq3A_389 = vector.broadcast %broadcast_in_dim3A_384 : vector<16x1x128xf32> to vector<16x56x128xf32>
    %eq3A_390 = arith.cmpf oeq, %select_n3A_375, %eq3A_389 : vector<16x56x128xf32>
    %select_n3A_391 = arith.select %eq3A_390, %select_n3A_376, %select_n3A_375 : vector<16x56x128xi1>, vector<16x56x128xf32>
    %select_n3A_392 = arith.select %eq3A_390, %select_n3A_377, %select_n3A_376 : vector<16x56x128xi1>, vector<16x56x128xf32>
    %select_n3A_393 = arith.select %eq3A_390, %select_n3A_380, %select_n3A_377 : vector<16x56x128xi1>, vector<16x56x128xf32>
    %jit3A_394 = arith.constant -3.40282347E+38 : f32
    %broadcast_in_dim3A_395 = vector.broadcast %jit3A_394 : f32 to vector<16x56x128xf32>
    %select_n3A_396 = arith.select %eq3A_390, %broadcast_in_dim3A_395, %select_n3A_380 : vector<16x56x128xi1>, vector<16x56x128xf32>
    %scan3A_397 = arith.constant 21 : i32
    %reduce_max3A_398 = arith.constant dense<0xFF800000> : vector<16x128xf32>
    %reduce_max3A_399 = vector.multi_reduction <maximumf>, %select_n3A_391, %reduce_max3A_398 [1] : vector<16x56x128xf32> to vector<16x128xf32>
    %broadcast_in_dim3A_400 = vector.shape_cast %reduce_max3A_399 : vector<16x128xf32> to vector<16x1x128xf32>
    %swap3A_401 = arith.constant 0 : index
    %swap3A_402 = arith.index_cast %scan3A_397 : i32 to index
    %swap3A_403 = arith.constant 0 : index
    %swap3A_404 = vector.load %arg7[%swap3A_401, %swap3A_402, %swap3A_403] : memref<16x56x128xf32, #tpu.memory_space<vmem>>, vector<16x1x128xf32>
    tpu.vector_store %arg7[%swap3A_401, %swap3A_402, %swap3A_403], %broadcast_in_dim3A_400 {strides = array<i32>} : memref<16x56x128xf32, #tpu.memory_space<vmem>>, vector<16x1x128xf32>,
    %eq3A_405 = vector.broadcast %broadcast_in_dim3A_400 : vector<16x1x128xf32> to vector<16x56x128xf32>
    %eq3A_406 = arith.cmpf oeq, %select_n3A_391, %eq3A_405 : vector<16x56x128xf32>
    %select_n3A_407 = arith.select %eq3A_406, %select_n3A_392, %select_n3A_391 : vector<16x56x128xi1>, vector<16x56x128xf32>
    %select_n3A_408 = arith.select %eq3A_406, %select_n3A_393, %select_n3A_392 : vector<16x56x128xi1>, vector<16x56x128xf32>
    %select_n3A_409 = arith.select %eq3A_406, %select_n3A_396, %select_n3A_393 : vector<16x56x128xi1>, vector<16x56x128xf32>
    %jit3A_410 = arith.constant -3.40282347E+38 : f32
    %broadcast_in_dim3A_411 = vector.broadcast %jit3A_410 : f32 to vector<16x56x128xf32>
    %select_n3A_412 = arith.select %eq3A_406, %broadcast_in_dim3A_411, %select_n3A_396 : vector<16x56x128xi1>, vector<16x56x128xf32>
    %scan3A_413 = arith.constant 22 : i32
    %reduce_max3A_414 = arith.constant dense<0xFF800000> : vector<16x128xf32>
    %reduce_max3A_415 = vector.multi_reduction <maximumf>, %select_n3A_407, %reduce_max3A_414 [1] : vector<16x56x128xf32> to vector<16x128xf32>
    %broadcast_in_dim3A_416 = vector.shape_cast %reduce_max3A_415 : vector<16x128xf32> to vector<16x1x128xf32>
    %swap3A_417 = arith.constant 0 : index
    %swap3A_418 = arith.index_cast %scan3A_413 : i32 to index
    %swap3A_419 = arith.constant 0 : index
    %swap3A_420 = vector.load %arg7[%swap3A_417, %swap3A_418, %swap3A_419] : memref<16x56x128xf32, #tpu.memory_space<vmem>>, vector<16x1x128xf32>
    tpu.vector_store %arg7[%swap3A_417, %swap3A_418, %swap3A_419], %broadcast_in_dim3A_416 {strides = array<i32>} : memref<16x56x128xf32, #tpu.memory_space<vmem>>, vector<16x1x128xf32>,
    %eq3A_421 = vector.broadcast %broadcast_in_dim3A_416 : vector<16x1x128xf32> to vector<16x56x128xf32>
    %eq3A_422 = arith.cmpf oeq, %select_n3A_407, %eq3A_421 : vector<16x56x128xf32>
    %select_n3A_423 = arith.select %eq3A_422, %select_n3A_408, %select_n3A_407 : vector<16x56x128xi1>, vector<16x56x128xf32>
    %select_n3A_424 = arith.select %eq3A_422, %select_n3A_409, %select_n3A_408 : vector<16x56x128xi1>, vector<16x56x128xf32>
    %select_n3A_425 = arith.select %eq3A_422, %select_n3A_412, %select_n3A_409 : vector<16x56x128xi1>, vector<16x56x128xf32>
    %jit3A_426 = arith.constant -3.40282347E+38 : f32
    %broadcast_in_dim3A_427 = vector.broadcast %jit3A_426 : f32 to vector<16x56x128xf32>
    %select_n3A_428 = arith.select %eq3A_422, %broadcast_in_dim3A_427, %select_n3A_412 : vector<16x56x128xi1>, vector<16x56x128xf32>
    %scan3A_429 = arith.constant 23 : i32
    %reduce_max3A_430 = arith.constant dense<0xFF800000> : vector<16x128xf32>
    %reduce_max3A_431 = vector.multi_reduction <maximumf>, %select_n3A_423, %reduce_max3A_430 [1] : vector<16x56x128xf32> to vector<16x128xf32>
    %broadcast_in_dim3A_432 = vector.shape_cast %reduce_max3A_431 : vector<16x128xf32> to vector<16x1x128xf32>
    %swap3A_433 = arith.constant 0 : index
    %swap3A_434 = arith.index_cast %scan3A_429 : i32 to index
    %swap3A_435 = arith.constant 0 : index
    %swap3A_436 = vector.load %arg7[%swap3A_433, %swap3A_434, %swap3A_435] : memref<16x56x128xf32, #tpu.memory_space<vmem>>, vector<16x1x128xf32>
    tpu.vector_store %arg7[%swap3A_433, %swap3A_434, %swap3A_435], %broadcast_in_dim3A_432 {strides = array<i32>} : memref<16x56x128xf32, #tpu.memory_space<vmem>>, vector<16x1x128xf32>,
    %eq3A_437 = vector.broadcast %broadcast_in_dim3A_432 : vector<16x1x128xf32> to vector<16x56x128xf32>
    %eq3A_438 = arith.cmpf oeq, %select_n3A_423, %eq3A_437 : vector<16x56x128xf32>
    %select_n3A_439 = arith.select %eq3A_438, %select_n3A_424, %select_n3A_423 : vector<16x56x128xi1>, vector<16x56x128xf32>
    %select_n3A_440 = arith.select %eq3A_438, %select_n3A_425, %select_n3A_424 : vector<16x56x128xi1>, vector<16x56x128xf32>
    %select_n3A_441 = arith.select %eq3A_438, %select_n3A_428, %select_n3A_425 : vector<16x56x128xi1>, vector<16x56x128xf32>
    %jit3A_442 = arith.constant -3.40282347E+38 : f32
    %broadcast_in_dim3A_443 = vector.broadcast %jit3A_442 : f32 to vector<16x56x128xf32>
    %select_n3A_444 = arith.select %eq3A_438, %broadcast_in_dim3A_443, %select_n3A_428 : vector<16x56x128xi1>, vector<16x56x128xf32>
    %scan3A_445 = arith.constant 24 : i32
    %reduce_max3A_446 = arith.constant dense<0xFF800000> : vector<16x128xf32>
    %reduce_max3A_447 = vector.multi_reduction <maximumf>, %select_n3A_439, %reduce_max3A_446 [1] : vector<16x56x128xf32> to vector<16x128xf32>
    %broadcast_in_dim3A_448 = vector.shape_cast %reduce_max3A_447 : vector<16x128xf32> to vector<16x1x128xf32>
    %swap3A_449 = arith.constant 0 : index
    %swap3A_450 = arith.index_cast %scan3A_445 : i32 to index
    %swap3A_451 = arith.constant 0 : index
    %swap3A_452 = vector.load %arg7[%swap3A_449, %swap3A_450, %swap3A_451] : memref<16x56x128xf32, #tpu.memory_space<vmem>>, vector<16x1x128xf32>
    tpu.vector_store %arg7[%swap3A_449, %swap3A_450, %swap3A_451], %broadcast_in_dim3A_448 {strides = array<i32>} : memref<16x56x128xf32, #tpu.memory_space<vmem>>, vector<16x1x128xf32>,
    %eq3A_453 = vector.broadcast %broadcast_in_dim3A_448 : vector<16x1x128xf32> to vector<16x56x128xf32>
    %eq3A_454 = arith.cmpf oeq, %select_n3A_439, %eq3A_453 : vector<16x56x128xf32>
    %select_n3A_455 = arith.select %eq3A_454, %select_n3A_440, %select_n3A_439 : vector<16x56x128xi1>, vector<16x56x128xf32>
    %select_n3A_456 = arith.select %eq3A_454, %select_n3A_441, %select_n3A_440 : vector<16x56x128xi1>, vector<16x56x128xf32>
    %select_n3A_457 = arith.select %eq3A_454, %select_n3A_444, %select_n3A_441 : vector<16x56x128xi1>, vector<16x56x128xf32>
    %jit3A_458 = arith.constant -3.40282347E+38 : f32
    %broadcast_in_dim3A_459 = vector.broadcast %jit3A_458 : f32 to vector<16x56x128xf32>
    %select_n3A_460 = arith.select %eq3A_454, %broadcast_in_dim3A_459, %select_n3A_444 : vector<16x56x128xi1>, vector<16x56x128xf32>
    %scan3A_461 = arith.constant 25 : i32
    %reduce_max3A_462 = arith.constant dense<0xFF800000> : vector<16x128xf32>
    %reduce_max3A_463 = vector.multi_reduction <maximumf>, %select_n3A_455, %reduce_max3A_462 [1] : vector<16x56x128xf32> to vector<16x128xf32>
    %broadcast_in_dim3A_464 = vector.shape_cast %reduce_max3A_463 : vector<16x128xf32> to vector<16x1x128xf32>
    %swap3A_465 = arith.constant 0 : index
    %swap3A_466 = arith.index_cast %scan3A_461 : i32 to index
    %swap3A_467 = arith.constant 0 : index
    %swap3A_468 = vector.load %arg7[%swap3A_465, %swap3A_466, %swap3A_467] : memref<16x56x128xf32, #tpu.memory_space<vmem>>, vector<16x1x128xf32>
    tpu.vector_store %arg7[%swap3A_465, %swap3A_466, %swap3A_467], %broadcast_in_dim3A_464 {strides = array<i32>} : memref<16x56x128xf32, #tpu.memory_space<vmem>>, vector<16x1x128xf32>,
    %eq3A_469 = vector.broadcast %broadcast_in_dim3A_464 : vector<16x1x128xf32> to vector<16x56x128xf32>
    %eq3A_470 = arith.cmpf oeq, %select_n3A_455, %eq3A_469 : vector<16x56x128xf32>
    %select_n3A_471 = arith.select %eq3A_470, %select_n3A_456, %select_n3A_455 : vector<16x56x128xi1>, vector<16x56x128xf32>
    %select_n3A_472 = arith.select %eq3A_470, %select_n3A_457, %select_n3A_456 : vector<16x56x128xi1>, vector<16x56x128xf32>
    %select_n3A_473 = arith.select %eq3A_470, %select_n3A_460, %select_n3A_457 : vector<16x56x128xi1>, vector<16x56x128xf32>
    %jit3A_474 = arith.constant -3.40282347E+38 : f32
    %broadcast_in_dim3A_475 = vector.broadcast %jit3A_474 : f32 to vector<16x56x128xf32>
    %select_n3A_476 = arith.select %eq3A_470, %broadcast_in_dim3A_475, %select_n3A_460 : vector<16x56x128xi1>, vector<16x56x128xf32>
    %scan3A_477 = arith.constant 26 : i32
    %reduce_max3A_478 = arith.constant dense<0xFF800000> : vector<16x128xf32>
    %reduce_max3A_479 = vector.multi_reduction <maximumf>, %select_n3A_471, %reduce_max3A_478 [1] : vector<16x56x128xf32> to vector<16x128xf32>
    %broadcast_in_dim3A_480 = vector.shape_cast %reduce_max3A_479 : vector<16x128xf32> to vector<16x1x128xf32>
    %swap3A_481 = arith.constant 0 : index
    %swap3A_482 = arith.index_cast %scan3A_477 : i32 to index
    %swap3A_483 = arith.constant 0 : index
    %swap3A_484 = vector.load %arg7[%swap3A_481, %swap3A_482, %swap3A_483] : memref<16x56x128xf32, #tpu.memory_space<vmem>>, vector<16x1x128xf32>
    tpu.vector_store %arg7[%swap3A_481, %swap3A_482, %swap3A_483], %broadcast_in_dim3A_480 {strides = array<i32>} : memref<16x56x128xf32, #tpu.memory_space<vmem>>, vector<16x1x128xf32>,
    %eq3A_485 = vector.broadcast %broadcast_in_dim3A_480 : vector<16x1x128xf32> to vector<16x56x128xf32>
    %eq3A_486 = arith.cmpf oeq, %select_n3A_471, %eq3A_485 : vector<16x56x128xf32>
    %select_n3A_487 = arith.select %eq3A_486, %select_n3A_472, %select_n3A_471 : vector<16x56x128xi1>, vector<16x56x128xf32>
    %select_n3A_488 = arith.select %eq3A_486, %select_n3A_473, %select_n3A_472 : vector<16x56x128xi1>, vector<16x56x128xf32>
    %select_n3A_489 = arith.select %eq3A_486, %select_n3A_476, %select_n3A_473 : vector<16x56x128xi1>, vector<16x56x128xf32>
    %jit3A_490 = arith.constant -3.40282347E+38 : f32
    %broadcast_in_dim3A_491 = vector.broadcast %jit3A_490 : f32 to vector<16x56x128xf32>
    %select_n3A_492 = arith.select %eq3A_486, %broadcast_in_dim3A_491, %select_n3A_476 : vector<16x56x128xi1>, vector<16x56x128xf32>
    %scan3A_493 = arith.constant 27 : i32
    %reduce_max3A_494 = arith.constant dense<0xFF800000> : vector<16x128xf32>
    %reduce_max3A_495 = vector.multi_reduction <maximumf>, %select_n3A_487, %reduce_max3A_494 [1] : vector<16x56x128xf32> to vector<16x128xf32>
    %broadcast_in_dim3A_496 = vector.shape_cast %reduce_max3A_495 : vector<16x128xf32> to vector<16x1x128xf32>
    %swap3A_497 = arith.constant 0 : index
    %swap3A_498 = arith.index_cast %scan3A_493 : i32 to index
    %swap3A_499 = arith.constant 0 : index
    %swap3A_500 = vector.load %arg7[%swap3A_497, %swap3A_498, %swap3A_499] : memref<16x56x128xf32, #tpu.memory_space<vmem>>, vector<16x1x128xf32>
    tpu.vector_store %arg7[%swap3A_497, %swap3A_498, %swap3A_499], %broadcast_in_dim3A_496 {strides = array<i32>} : memref<16x56x128xf32, #tpu.memory_space<vmem>>, vector<16x1x128xf32>,
    %eq3A_501 = vector.broadcast %broadcast_in_dim3A_496 : vector<16x1x128xf32> to vector<16x56x128xf32>
    %eq3A_502 = arith.cmpf oeq, %select_n3A_487, %eq3A_501 : vector<16x56x128xf32>
    %select_n3A_503 = arith.select %eq3A_502, %select_n3A_488, %select_n3A_487 : vector<16x56x128xi1>, vector<16x56x128xf32>
    %select_n3A_504 = arith.select %eq3A_502, %select_n3A_489, %select_n3A_488 : vector<16x56x128xi1>, vector<16x56x128xf32>
    %select_n3A_505 = arith.select %eq3A_502, %select_n3A_492, %select_n3A_489 : vector<16x56x128xi1>, vector<16x56x128xf32>
    %jit3A_506 = arith.constant -3.40282347E+38 : f32
    %broadcast_in_dim3A_507 = vector.broadcast %jit3A_506 : f32 to vector<16x56x128xf32>
    %select_n3A_508 = arith.select %eq3A_502, %broadcast_in_dim3A_507, %select_n3A_492 : vector<16x56x128xi1>, vector<16x56x128xf32>
    %scan3A_509 = arith.constant 28 : i32
    %reduce_max3A_510 = arith.constant dense<0xFF800000> : vector<16x128xf32>
    %reduce_max3A_511 = vector.multi_reduction <maximumf>, %select_n3A_503, %reduce_max3A_510 [1] : vector<16x56x128xf32> to vector<16x128xf32>
    %broadcast_in_dim3A_512 = vector.shape_cast %reduce_max3A_511 : vector<16x128xf32> to vector<16x1x128xf32>
    %swap3A_513 = arith.constant 0 : index
    %swap3A_514 = arith.index_cast %scan3A_509 : i32 to index
    %swap3A_515 = arith.constant 0 : index
    %swap3A_516 = vector.load %arg7[%swap3A_513, %swap3A_514, %swap3A_515] : memref<16x56x128xf32, #tpu.memory_space<vmem>>, vector<16x1x128xf32>
    tpu.vector_store %arg7[%swap3A_513, %swap3A_514, %swap3A_515], %broadcast_in_dim3A_512 {strides = array<i32>} : memref<16x56x128xf32, #tpu.memory_space<vmem>>, vector<16x1x128xf32>,
    %eq3A_517 = vector.broadcast %broadcast_in_dim3A_512 : vector<16x1x128xf32> to vector<16x56x128xf32>
    %eq3A_518 = arith.cmpf oeq, %select_n3A_503, %eq3A_517 : vector<16x56x128xf32>
    %select_n3A_519 = arith.select %eq3A_518, %select_n3A_504, %select_n3A_503 : vector<16x56x128xi1>, vector<16x56x128xf32>
    %select_n3A_520 = arith.select %eq3A_518, %select_n3A_505, %select_n3A_504 : vector<16x56x128xi1>, vector<16x56x128xf32>
    %select_n3A_521 = arith.select %eq3A_518, %select_n3A_508, %select_n3A_505 : vector<16x56x128xi1>, vector<16x56x128xf32>
    %jit3A_522 = arith.constant -3.40282347E+38 : f32
    %broadcast_in_dim3A_523 = vector.broadcast %jit3A_522 : f32 to vector<16x56x128xf32>
    %select_n3A_524 = arith.select %eq3A_518, %broadcast_in_dim3A_523, %select_n3A_508 : vector<16x56x128xi1>, vector<16x56x128xf32>
    %scan3A_525 = arith.constant 29 : i32
    %reduce_max3A_526 = arith.constant dense<0xFF800000> : vector<16x128xf32>
    %reduce_max3A_527 = vector.multi_reduction <maximumf>, %select_n3A_519, %reduce_max3A_526 [1] : vector<16x56x128xf32> to vector<16x128xf32>
    %broadcast_in_dim3A_528 = vector.shape_cast %reduce_max3A_527 : vector<16x128xf32> to vector<16x1x128xf32>
    %swap3A_529 = arith.constant 0 : index
    %swap3A_530 = arith.index_cast %scan3A_525 : i32 to index
    %swap3A_531 = arith.constant 0 : index
    %swap3A_532 = vector.load %arg7[%swap3A_529, %swap3A_530, %swap3A_531] : memref<16x56x128xf32, #tpu.memory_space<vmem>>, vector<16x1x128xf32>
    tpu.vector_store %arg7[%swap3A_529, %swap3A_530, %swap3A_531], %broadcast_in_dim3A_528 {strides = array<i32>} : memref<16x56x128xf32, #tpu.memory_space<vmem>>, vector<16x1x128xf32>,
    %eq3A_533 = vector.broadcast %broadcast_in_dim3A_528 : vector<16x1x128xf32> to vector<16x56x128xf32>
    %eq3A_534 = arith.cmpf oeq, %select_n3A_519, %eq3A_533 : vector<16x56x128xf32>
    %select_n3A_535 = arith.select %eq3A_534, %select_n3A_520, %select_n3A_519 : vector<16x56x128xi1>, vector<16x56x128xf32>
    %select_n3A_536 = arith.select %eq3A_534, %select_n3A_521, %select_n3A_520 : vector<16x56x128xi1>, vector<16x56x128xf32>
    %select_n3A_537 = arith.select %eq3A_534, %select_n3A_524, %select_n3A_521 : vector<16x56x128xi1>, vector<16x56x128xf32>
    %jit3A_538 = arith.constant -3.40282347E+38 : f32
    %broadcast_in_dim3A_539 = vector.broadcast %jit3A_538 : f32 to vector<16x56x128xf32>
    %select_n3A_540 = arith.select %eq3A_534, %broadcast_in_dim3A_539, %select_n3A_524 : vector<16x56x128xi1>, vector<16x56x128xf32>
    %scan3A_541 = arith.constant 30 : i32
    %reduce_max3A_542 = arith.constant dense<0xFF800000> : vector<16x128xf32>
    %reduce_max3A_543 = vector.multi_reduction <maximumf>, %select_n3A_535, %reduce_max3A_542 [1] : vector<16x56x128xf32> to vector<16x128xf32>
    %broadcast_in_dim3A_544 = vector.shape_cast %reduce_max3A_543 : vector<16x128xf32> to vector<16x1x128xf32>
    %swap3A_545 = arith.constant 0 : index
    %swap3A_546 = arith.index_cast %scan3A_541 : i32 to index
    %swap3A_547 = arith.constant 0 : index
    %swap3A_548 = vector.load %arg7[%swap3A_545, %swap3A_546, %swap3A_547] : memref<16x56x128xf32, #tpu.memory_space<vmem>>, vector<16x1x128xf32>
    tpu.vector_store %arg7[%swap3A_545, %swap3A_546, %swap3A_547], %broadcast_in_dim3A_544 {strides = array<i32>} : memref<16x56x128xf32, #tpu.memory_space<vmem>>, vector<16x1x128xf32>,
    %eq3A_549 = vector.broadcast %broadcast_in_dim3A_544 : vector<16x1x128xf32> to vector<16x56x128xf32>
    %eq3A_550 = arith.cmpf oeq, %select_n3A_535, %eq3A_549 : vector<16x56x128xf32>
    %select_n3A_551 = arith.select %eq3A_550, %select_n3A_536, %select_n3A_535 : vector<16x56x128xi1>, vector<16x56x128xf32>
    %select_n3A_552 = arith.select %eq3A_550, %select_n3A_537, %select_n3A_536 : vector<16x56x128xi1>, vector<16x56x128xf32>
    %select_n3A_553 = arith.select %eq3A_550, %select_n3A_540, %select_n3A_537 : vector<16x56x128xi1>, vector<16x56x128xf32>
    %jit3A_554 = arith.constant -3.40282347E+38 : f32
    %broadcast_in_dim3A_555 = vector.broadcast %jit3A_554 : f32 to vector<16x56x128xf32>
    %select_n3A_556 = arith.select %eq3A_550, %broadcast_in_dim3A_555, %select_n3A_540 : vector<16x56x128xi1>, vector<16x56x128xf32>
    %scan3A_557 = arith.constant 31 : i32
    %reduce_max3A_558 = arith.constant dense<0xFF800000> : vector<16x128xf32>
    %reduce_max3A_559 = vector.multi_reduction <maximumf>, %select_n3A_551, %reduce_max3A_558 [1] : vector<16x56x128xf32> to vector<16x128xf32>
    %broadcast_in_dim3A_560 = vector.shape_cast %reduce_max3A_559 : vector<16x128xf32> to vector<16x1x128xf32>
    %swap3A_561 = arith.constant 0 : index
    %swap3A_562 = arith.index_cast %scan3A_557 : i32 to index
    %swap3A_563 = arith.constant 0 : index
    %swap3A_564 = vector.load %arg7[%swap3A_561, %swap3A_562, %swap3A_563] : memref<16x56x128xf32, #tpu.memory_space<vmem>>, vector<16x1x128xf32>
    tpu.vector_store %arg7[%swap3A_561, %swap3A_562, %swap3A_563], %broadcast_in_dim3A_560 {strides = array<i32>} : memref<16x56x128xf32, #tpu.memory_space<vmem>>, vector<16x1x128xf32>,
    %eq3A_565 = vector.broadcast %broadcast_in_dim3A_560 : vector<16x1x128xf32> to vector<16x56x128xf32>
    %eq3A_566 = arith.cmpf oeq, %select_n3A_551, %eq3A_565 : vector<16x56x128xf32>
    %select_n3A_567 = arith.select %eq3A_566, %select_n3A_552, %select_n3A_551 : vector<16x56x128xi1>, vector<16x56x128xf32>
    %select_n3A_568 = arith.select %eq3A_566, %select_n3A_553, %select_n3A_552 : vector<16x56x128xi1>, vector<16x56x128xf32>
    %select_n3A_569 = arith.select %eq3A_566, %select_n3A_556, %select_n3A_553 : vector<16x56x128xi1>, vector<16x56x128xf32>
    %jit3A_570 = arith.constant -3.40282347E+38 : f32
    %broadcast_in_dim3A_571 = vector.broadcast %jit3A_570 : f32 to vector<16x56x128xf32>
    %select_n3A_572 = arith.select %eq3A_566, %broadcast_in_dim3A_571, %select_n3A_556 : vector<16x56x128xi1>, vector<16x56x128xf32>
    %scan3A_573 = arith.constant 32 : i32
    %reduce_max3A_574 = arith.constant dense<0xFF800000> : vector<16x128xf32>
    %reduce_max3A_575 = vector.multi_reduction <maximumf>, %select_n3A_567, %reduce_max3A_574 [1] : vector<16x56x128xf32> to vector<16x128xf32>
    %broadcast_in_dim3A_576 = vector.shape_cast %reduce_max3A_575 : vector<16x128xf32> to vector<16x1x128xf32>
    %swap3A_577 = arith.constant 0 : index
    %swap3A_578 = arith.index_cast %scan3A_573 : i32 to index
    %swap3A_579 = arith.constant 0 : index
    %swap3A_580 = vector.load %arg7[%swap3A_577, %swap3A_578, %swap3A_579] : memref<16x56x128xf32, #tpu.memory_space<vmem>>, vector<16x1x128xf32>
    tpu.vector_store %arg7[%swap3A_577, %swap3A_578, %swap3A_579], %broadcast_in_dim3A_576 {strides = array<i32>} : memref<16x56x128xf32, #tpu.memory_space<vmem>>, vector<16x1x128xf32>,
    %eq3A_581 = vector.broadcast %broadcast_in_dim3A_576 : vector<16x1x128xf32> to vector<16x56x128xf32>
    %eq3A_582 = arith.cmpf oeq, %select_n3A_567, %eq3A_581 : vector<16x56x128xf32>
    %select_n3A_583 = arith.select %eq3A_582, %select_n3A_568, %select_n3A_567 : vector<16x56x128xi1>, vector<16x56x128xf32>
    %select_n3A_584 = arith.select %eq3A_582, %select_n3A_569, %select_n3A_568 : vector<16x56x128xi1>, vector<16x56x128xf32>
    %select_n3A_585 = arith.select %eq3A_582, %select_n3A_572, %select_n3A_569 : vector<16x56x128xi1>, vector<16x56x128xf32>
    %jit3A_586 = arith.constant -3.40282347E+38 : f32
    %broadcast_in_dim3A_587 = vector.broadcast %jit3A_586 : f32 to vector<16x56x128xf32>
    %select_n3A_588 = arith.select %eq3A_582, %broadcast_in_dim3A_587, %select_n3A_572 : vector<16x56x128xi1>, vector<16x56x128xf32>
    %scan3A_589 = arith.constant 33 : i32
    %reduce_max3A_590 = arith.constant dense<0xFF800000> : vector<16x128xf32>
    %reduce_max3A_591 = vector.multi_reduction <maximumf>, %select_n3A_583, %reduce_max3A_590 [1] : vector<16x56x128xf32> to vector<16x128xf32>
    %broadcast_in_dim3A_592 = vector.shape_cast %reduce_max3A_591 : vector<16x128xf32> to vector<16x1x128xf32>
    %swap3A_593 = arith.constant 0 : index
    %swap3A_594 = arith.index_cast %scan3A_589 : i32 to index
    %swap3A_595 = arith.constant 0 : index
    %swap3A_596 = vector.load %arg7[%swap3A_593, %swap3A_594, %swap3A_595] : memref<16x56x128xf32, #tpu.memory_space<vmem>>, vector<16x1x128xf32>
    tpu.vector_store %arg7[%swap3A_593, %swap3A_594, %swap3A_595], %broadcast_in_dim3A_592 {strides = array<i32>} : memref<16x56x128xf32, #tpu.memory_space<vmem>>, vector<16x1x128xf32>,
    %eq3A_597 = vector.broadcast %broadcast_in_dim3A_592 : vector<16x1x128xf32> to vector<16x56x128xf32>
    %eq3A_598 = arith.cmpf oeq, %select_n3A_583, %eq3A_597 : vector<16x56x128xf32>
    %select_n3A_599 = arith.select %eq3A_598, %select_n3A_584, %select_n3A_583 : vector<16x56x128xi1>, vector<16x56x128xf32>
    %select_n3A_600 = arith.select %eq3A_598, %select_n3A_585, %select_n3A_584 : vector<16x56x128xi1>, vector<16x56x128xf32>
    %select_n3A_601 = arith.select %eq3A_598, %select_n3A_588, %select_n3A_585 : vector<16x56x128xi1>, vector<16x56x128xf32>
    %jit3A_602 = arith.constant -3.40282347E+38 : f32
    %broadcast_in_dim3A_603 = vector.broadcast %jit3A_602 : f32 to vector<16x56x128xf32>
    %select_n3A_604 = arith.select %eq3A_598, %broadcast_in_dim3A_603, %select_n3A_588 : vector<16x56x128xi1>, vector<16x56x128xf32>
    %scan3A_605 = arith.constant 34 : i32
    %reduce_max3A_606 = arith.constant dense<0xFF800000> : vector<16x128xf32>
    %reduce_max3A_607 = vector.multi_reduction <maximumf>, %select_n3A_599, %reduce_max3A_606 [1] : vector<16x56x128xf32> to vector<16x128xf32>
    %broadcast_in_dim3A_608 = vector.shape_cast %reduce_max3A_607 : vector<16x128xf32> to vector<16x1x128xf32>
    %swap3A_609 = arith.constant 0 : index
    %swap3A_610 = arith.index_cast %scan3A_605 : i32 to index
    %swap3A_611 = arith.constant 0 : index
    %swap3A_612 = vector.load %arg7[%swap3A_609, %swap3A_610, %swap3A_611] : memref<16x56x128xf32, #tpu.memory_space<vmem>>, vector<16x1x128xf32>
    tpu.vector_store %arg7[%swap3A_609, %swap3A_610, %swap3A_611], %broadcast_in_dim3A_608 {strides = array<i32>} : memref<16x56x128xf32, #tpu.memory_space<vmem>>, vector<16x1x128xf32>,
    %eq3A_613 = vector.broadcast %broadcast_in_dim3A_608 : vector<16x1x128xf32> to vector<16x56x128xf32>
    %eq3A_614 = arith.cmpf oeq, %select_n3A_599, %eq3A_613 : vector<16x56x128xf32>
    %select_n3A_615 = arith.select %eq3A_614, %select_n3A_600, %select_n3A_599 : vector<16x56x128xi1>, vector<16x56x128xf32>
    %select_n3A_616 = arith.select %eq3A_614, %select_n3A_601, %select_n3A_600 : vector<16x56x128xi1>, vector<16x56x128xf32>
    %select_n3A_617 = arith.select %eq3A_614, %select_n3A_604, %select_n3A_601 : vector<16x56x128xi1>, vector<16x56x128xf32>
    %jit3A_618 = arith.constant -3.40282347E+38 : f32
    %broadcast_in_dim3A_619 = vector.broadcast %jit3A_618 : f32 to vector<16x56x128xf32>
    %select_n3A_620 = arith.select %eq3A_614, %broadcast_in_dim3A_619, %select_n3A_604 : vector<16x56x128xi1>, vector<16x56x128xf32>
    %scan3A_621 = arith.constant 35 : i32
    %reduce_max3A_622 = arith.constant dense<0xFF800000> : vector<16x128xf32>
    %reduce_max3A_623 = vector.multi_reduction <maximumf>, %select_n3A_615, %reduce_max3A_622 [1] : vector<16x56x128xf32> to vector<16x128xf32>
    %broadcast_in_dim3A_624 = vector.shape_cast %reduce_max3A_623 : vector<16x128xf32> to vector<16x1x128xf32>
    %swap3A_625 = arith.constant 0 : index
    %swap3A_626 = arith.index_cast %scan3A_621 : i32 to index
    %swap3A_627 = arith.constant 0 : index
    %swap3A_628 = vector.load %arg7[%swap3A_625, %swap3A_626, %swap3A_627] : memref<16x56x128xf32, #tpu.memory_space<vmem>>, vector<16x1x128xf32>
    tpu.vector_store %arg7[%swap3A_625, %swap3A_626, %swap3A_627], %broadcast_in_dim3A_624 {strides = array<i32>} : memref<16x56x128xf32, #tpu.memory_space<vmem>>, vector<16x1x128xf32>,
    %eq3A_629 = vector.broadcast %broadcast_in_dim3A_624 : vector<16x1x128xf32> to vector<16x56x128xf32>
    %eq3A_630 = arith.cmpf oeq, %select_n3A_615, %eq3A_629 : vector<16x56x128xf32>
    %select_n3A_631 = arith.select %eq3A_630, %select_n3A_616, %select_n3A_615 : vector<16x56x128xi1>, vector<16x56x128xf32>
    %select_n3A_632 = arith.select %eq3A_630, %select_n3A_617, %select_n3A_616 : vector<16x56x128xi1>, vector<16x56x128xf32>
    %select_n3A_633 = arith.select %eq3A_630, %select_n3A_620, %select_n3A_617 : vector<16x56x128xi1>, vector<16x56x128xf32>
    %jit3A_634 = arith.constant -3.40282347E+38 : f32
    %broadcast_in_dim3A_635 = vector.broadcast %jit3A_634 : f32 to vector<16x56x128xf32>
    %select_n3A_636 = arith.select %eq3A_630, %broadcast_in_dim3A_635, %select_n3A_620 : vector<16x56x128xi1>, vector<16x56x128xf32>
    %scan3A_637 = arith.constant 36 : i32
    %reduce_max3A_638 = arith.constant dense<0xFF800000> : vector<16x128xf32>
    %reduce_max3A_639 = vector.multi_reduction <maximumf>, %select_n3A_631, %reduce_max3A_638 [1] : vector<16x56x128xf32> to vector<16x128xf32>
    %broadcast_in_dim3A_640 = vector.shape_cast %reduce_max3A_639 : vector<16x128xf32> to vector<16x1x128xf32>
    %swap3A_641 = arith.constant 0 : index
    %swap3A_642 = arith.index_cast %scan3A_637 : i32 to index
    %swap3A_643 = arith.constant 0 : index
    %swap3A_644 = vector.load %arg7[%swap3A_641, %swap3A_642, %swap3A_643] : memref<16x56x128xf32, #tpu.memory_space<vmem>>, vector<16x1x128xf32>
    tpu.vector_store %arg7[%swap3A_641, %swap3A_642, %swap3A_643], %broadcast_in_dim3A_640 {strides = array<i32>} : memref<16x56x128xf32, #tpu.memory_space<vmem>>, vector<16x1x128xf32>,
    %eq3A_645 = vector.broadcast %broadcast_in_dim3A_640 : vector<16x1x128xf32> to vector<16x56x128xf32>
    %eq3A_646 = arith.cmpf oeq, %select_n3A_631, %eq3A_645 : vector<16x56x128xf32>
    %select_n3A_647 = arith.select %eq3A_646, %select_n3A_632, %select_n3A_631 : vector<16x56x128xi1>, vector<16x56x128xf32>
    %select_n3A_648 = arith.select %eq3A_646, %select_n3A_633, %select_n3A_632 : vector<16x56x128xi1>, vector<16x56x128xf32>
    %select_n3A_649 = arith.select %eq3A_646, %select_n3A_636, %select_n3A_633 : vector<16x56x128xi1>, vector<16x56x128xf32>
    %jit3A_650 = arith.constant -3.40282347E+38 : f32
    %broadcast_in_dim3A_651 = vector.broadcast %jit3A_650 : f32 to vector<16x56x128xf32>
    %select_n3A_652 = arith.select %eq3A_646, %broadcast_in_dim3A_651, %select_n3A_636 : vector<16x56x128xi1>, vector<16x56x128xf32>
    %scan3A_653 = arith.constant 37 : i32
    %reduce_max3A_654 = arith.constant dense<0xFF800000> : vector<16x128xf32>
    %reduce_max3A_655 = vector.multi_reduction <maximumf>, %select_n3A_647, %reduce_max3A_654 [1] : vector<16x56x128xf32> to vector<16x128xf32>
    %broadcast_in_dim3A_656 = vector.shape_cast %reduce_max3A_655 : vector<16x128xf32> to vector<16x1x128xf32>
    %swap3A_657 = arith.constant 0 : index
    %swap3A_658 = arith.index_cast %scan3A_653 : i32 to index
    %swap3A_659 = arith.constant 0 : index
    %swap3A_660 = vector.load %arg7[%swap3A_657, %swap3A_658, %swap3A_659] : memref<16x56x128xf32, #tpu.memory_space<vmem>>, vector<16x1x128xf32>
    tpu.vector_store %arg7[%swap3A_657, %swap3A_658, %swap3A_659], %broadcast_in_dim3A_656 {strides = array<i32>} : memref<16x56x128xf32, #tpu.memory_space<vmem>>, vector<16x1x128xf32>,
    %eq3A_661 = vector.broadcast %broadcast_in_dim3A_656 : vector<16x1x128xf32> to vector<16x56x128xf32>
    %eq3A_662 = arith.cmpf oeq, %select_n3A_647, %eq3A_661 : vector<16x56x128xf32>
    %select_n3A_663 = arith.select %eq3A_662, %select_n3A_648, %select_n3A_647 : vector<16x56x128xi1>, vector<16x56x128xf32>
    %select_n3A_664 = arith.select %eq3A_662, %select_n3A_649, %select_n3A_648 : vector<16x56x128xi1>, vector<16x56x128xf32>
    %select_n3A_665 = arith.select %eq3A_662, %select_n3A_652, %select_n3A_649 : vector<16x56x128xi1>, vector<16x56x128xf32>
    %jit3A_666 = arith.constant -3.40282347E+38 : f32
    %broadcast_in_dim3A_667 = vector.broadcast %jit3A_666 : f32 to vector<16x56x128xf32>
    %select_n3A_668 = arith.select %eq3A_662, %broadcast_in_dim3A_667, %select_n3A_652 : vector<16x56x128xi1>, vector<16x56x128xf32>
    %scan3A_669 = arith.constant 38 : i32
    %reduce_max3A_670 = arith.constant dense<0xFF800000> : vector<16x128xf32>
    %reduce_max3A_671 = vector.multi_reduction <maximumf>, %select_n3A_663, %reduce_max3A_670 [1] : vector<16x56x128xf32> to vector<16x128xf32>
    %broadcast_in_dim3A_672 = vector.shape_cast %reduce_max3A_671 : vector<16x128xf32> to vector<16x1x128xf32>
    %swap3A_673 = arith.constant 0 : index
    %swap3A_674 = arith.index_cast %scan3A_669 : i32 to index
    %swap3A_675 = arith.constant 0 : index
    %swap3A_676 = vector.load %arg7[%swap3A_673, %swap3A_674, %swap3A_675] : memref<16x56x128xf32, #tpu.memory_space<vmem>>, vector<16x1x128xf32>
    tpu.vector_store %arg7[%swap3A_673, %swap3A_674, %swap3A_675], %broadcast_in_dim3A_672 {strides = array<i32>} : memref<16x56x128xf32, #tpu.memory_space<vmem>>, vector<16x1x128xf32>,
    %eq3A_677 = vector.broadcast %broadcast_in_dim3A_672 : vector<16x1x128xf32> to vector<16x56x128xf32>
    %eq3A_678 = arith.cmpf oeq, %select_n3A_663, %eq3A_677 : vector<16x56x128xf32>
    %select_n3A_679 = arith.select %eq3A_678, %select_n3A_664, %select_n3A_663 : vector<16x56x128xi1>, vector<16x56x128xf32>
    %select_n3A_680 = arith.select %eq3A_678, %select_n3A_665, %select_n3A_664 : vector<16x56x128xi1>, vector<16x56x128xf32>
    %select_n3A_681 = arith.select %eq3A_678, %select_n3A_668, %select_n3A_665 : vector<16x56x128xi1>, vector<16x56x128xf32>
    %jit3A_682 = arith.constant -3.40282347E+38 : f32
    %broadcast_in_dim3A_683 = vector.broadcast %jit3A_682 : f32 to vector<16x56x128xf32>
    %select_n3A_684 = arith.select %eq3A_678, %broadcast_in_dim3A_683, %select_n3A_668 : vector<16x56x128xi1>, vector<16x56x128xf32>
    %scan3A_685 = arith.constant 39 : i32
    %reduce_max3A_686 = arith.constant dense<0xFF800000> : vector<16x128xf32>
    %reduce_max3A_687 = vector.multi_reduction <maximumf>, %select_n3A_679, %reduce_max3A_686 [1] : vector<16x56x128xf32> to vector<16x128xf32>
    %broadcast_in_dim3A_688 = vector.shape_cast %reduce_max3A_687 : vector<16x128xf32> to vector<16x1x128xf32>
    %swap3A_689 = arith.constant 0 : index
    %swap3A_690 = arith.index_cast %scan3A_685 : i32 to index
    %swap3A_691 = arith.constant 0 : index
    %swap3A_692 = vector.load %arg7[%swap3A_689, %swap3A_690, %swap3A_691] : memref<16x56x128xf32, #tpu.memory_space<vmem>>, vector<16x1x128xf32>
    tpu.vector_store %arg7[%swap3A_689, %swap3A_690, %swap3A_691], %broadcast_in_dim3A_688 {strides = array<i32>} : memref<16x56x128xf32, #tpu.memory_space<vmem>>, vector<16x1x128xf32>,
    %eq3A_693 = vector.broadcast %broadcast_in_dim3A_688 : vector<16x1x128xf32> to vector<16x56x128xf32>
    %eq3A_694 = arith.cmpf oeq, %select_n3A_679, %eq3A_693 : vector<16x56x128xf32>
    %select_n3A_695 = arith.select %eq3A_694, %select_n3A_680, %select_n3A_679 : vector<16x56x128xi1>, vector<16x56x128xf32>
    %select_n3A_696 = arith.select %eq3A_694, %select_n3A_681, %select_n3A_680 : vector<16x56x128xi1>, vector<16x56x128xf32>
    %select_n3A_697 = arith.select %eq3A_694, %select_n3A_684, %select_n3A_681 : vector<16x56x128xi1>, vector<16x56x128xf32>
    %jit3A_698 = arith.constant -3.40282347E+38 : f32
    %broadcast_in_dim3A_699 = vector.broadcast %jit3A_698 : f32 to vector<16x56x128xf32>
    %select_n3A_700 = arith.select %eq3A_694, %broadcast_in_dim3A_699, %select_n3A_684 : vector<16x56x128xi1>, vector<16x56x128xf32>
    %scan3A_701 = arith.constant 40 : i32
    %reduce_max3A_702 = arith.constant dense<0xFF800000> : vector<16x128xf32>
    %reduce_max3A_703 = vector.multi_reduction <maximumf>, %select_n3A_695, %reduce_max3A_702 [1] : vector<16x56x128xf32> to vector<16x128xf32>
    %broadcast_in_dim3A_704 = vector.shape_cast %reduce_max3A_703 : vector<16x128xf32> to vector<16x1x128xf32>
    %swap3A_705 = arith.constant 0 : index
    %swap3A_706 = arith.index_cast %scan3A_701 : i32 to index
    %swap3A_707 = arith.constant 0 : index
    %swap3A_708 = vector.load %arg7[%swap3A_705, %swap3A_706, %swap3A_707] : memref<16x56x128xf32, #tpu.memory_space<vmem>>, vector<16x1x128xf32>
    tpu.vector_store %arg7[%swap3A_705, %swap3A_706, %swap3A_707], %broadcast_in_dim3A_704 {strides = array<i32>} : memref<16x56x128xf32, #tpu.memory_space<vmem>>, vector<16x1x128xf32>,
    %eq3A_709 = vector.broadcast %broadcast_in_dim3A_704 : vector<16x1x128xf32> to vector<16x56x128xf32>
    %eq3A_710 = arith.cmpf oeq, %select_n3A_695, %eq3A_709 : vector<16x56x128xf32>
    %select_n3A_711 = arith.select %eq3A_710, %select_n3A_696, %select_n3A_695 : vector<16x56x128xi1>, vector<16x56x128xf32>
    %select_n3A_712 = arith.select %eq3A_710, %select_n3A_697, %select_n3A_696 : vector<16x56x128xi1>, vector<16x56x128xf32>
    %select_n3A_713 = arith.select %eq3A_710, %select_n3A_700, %select_n3A_697 : vector<16x56x128xi1>, vector<16x56x128xf32>
    %jit3A_714 = arith.constant -3.40282347E+38 : f32
    %broadcast_in_dim3A_715 = vector.broadcast %jit3A_714 : f32 to vector<16x56x128xf32>
    %select_n3A_716 = arith.select %eq3A_710, %broadcast_in_dim3A_715, %select_n3A_700 : vector<16x56x128xi1>, vector<16x56x128xf32>
    %scan3A_717 = arith.constant 41 : i32
    %reduce_max3A_718 = arith.constant dense<0xFF800000> : vector<16x128xf32>
    %reduce_max3A_719 = vector.multi_reduction <maximumf>, %select_n3A_711, %reduce_max3A_718 [1] : vector<16x56x128xf32> to vector<16x128xf32>
    %broadcast_in_dim3A_720 = vector.shape_cast %reduce_max3A_719 : vector<16x128xf32> to vector<16x1x128xf32>
    %swap3A_721 = arith.constant 0 : index
    %swap3A_722 = arith.index_cast %scan3A_717 : i32 to index
    %swap3A_723 = arith.constant 0 : index
    %swap3A_724 = vector.load %arg7[%swap3A_721, %swap3A_722, %swap3A_723] : memref<16x56x128xf32, #tpu.memory_space<vmem>>, vector<16x1x128xf32>
    tpu.vector_store %arg7[%swap3A_721, %swap3A_722, %swap3A_723], %broadcast_in_dim3A_720 {strides = array<i32>} : memref<16x56x128xf32, #tpu.memory_space<vmem>>, vector<16x1x128xf32>,
    %eq3A_725 = vector.broadcast %broadcast_in_dim3A_720 : vector<16x1x128xf32> to vector<16x56x128xf32>
    %eq3A_726 = arith.cmpf oeq, %select_n3A_711, %eq3A_725 : vector<16x56x128xf32>
    %select_n3A_727 = arith.select %eq3A_726, %select_n3A_712, %select_n3A_711 : vector<16x56x128xi1>, vector<16x56x128xf32>
    %select_n3A_728 = arith.select %eq3A_726, %select_n3A_713, %select_n3A_712 : vector<16x56x128xi1>, vector<16x56x128xf32>
    %select_n3A_729 = arith.select %eq3A_726, %select_n3A_716, %select_n3A_713 : vector<16x56x128xi1>, vector<16x56x128xf32>
    %jit3A_730 = arith.constant -3.40282347E+38 : f32
    %broadcast_in_dim3A_731 = vector.broadcast %jit3A_730 : f32 to vector<16x56x128xf32>
    %select_n3A_732 = arith.select %eq3A_726, %broadcast_in_dim3A_731, %select_n3A_716 : vector<16x56x128xi1>, vector<16x56x128xf32>
    %scan3A_733 = arith.constant 42 : i32
    %reduce_max3A_734 = arith.constant dense<0xFF800000> : vector<16x128xf32>
    %reduce_max3A_735 = vector.multi_reduction <maximumf>, %select_n3A_727, %reduce_max3A_734 [1] : vector<16x56x128xf32> to vector<16x128xf32>
    %broadcast_in_dim3A_736 = vector.shape_cast %reduce_max3A_735 : vector<16x128xf32> to vector<16x1x128xf32>
    %swap3A_737 = arith.constant 0 : index
    %swap3A_738 = arith.index_cast %scan3A_733 : i32 to index
    %swap3A_739 = arith.constant 0 : index
    %swap3A_740 = vector.load %arg7[%swap3A_737, %swap3A_738, %swap3A_739] : memref<16x56x128xf32, #tpu.memory_space<vmem>>, vector<16x1x128xf32>
    tpu.vector_store %arg7[%swap3A_737, %swap3A_738, %swap3A_739], %broadcast_in_dim3A_736 {strides = array<i32>} : memref<16x56x128xf32, #tpu.memory_space<vmem>>, vector<16x1x128xf32>,
    %eq3A_741 = vector.broadcast %broadcast_in_dim3A_736 : vector<16x1x128xf32> to vector<16x56x128xf32>
    %eq3A_742 = arith.cmpf oeq, %select_n3A_727, %eq3A_741 : vector<16x56x128xf32>
    %select_n3A_743 = arith.select %eq3A_742, %select_n3A_728, %select_n3A_727 : vector<16x56x128xi1>, vector<16x56x128xf32>
    %select_n3A_744 = arith.select %eq3A_742, %select_n3A_729, %select_n3A_728 : vector<16x56x128xi1>, vector<16x56x128xf32>
    %select_n3A_745 = arith.select %eq3A_742, %select_n3A_732, %select_n3A_729 : vector<16x56x128xi1>, vector<16x56x128xf32>
    %jit3A_746 = arith.constant -3.40282347E+38 : f32
    %broadcast_in_dim3A_747 = vector.broadcast %jit3A_746 : f32 to vector<16x56x128xf32>
    %select_n3A_748 = arith.select %eq3A_742, %broadcast_in_dim3A_747, %select_n3A_732 : vector<16x56x128xi1>, vector<16x56x128xf32>
    %scan3A_749 = arith.constant 43 : i32
    %reduce_max3A_750 = arith.constant dense<0xFF800000> : vector<16x128xf32>
    %reduce_max3A_751 = vector.multi_reduction <maximumf>, %select_n3A_743, %reduce_max3A_750 [1] : vector<16x56x128xf32> to vector<16x128xf32>
    %broadcast_in_dim3A_752 = vector.shape_cast %reduce_max3A_751 : vector<16x128xf32> to vector<16x1x128xf32>
    %swap3A_753 = arith.constant 0 : index
    %swap3A_754 = arith.index_cast %scan3A_749 : i32 to index
    %swap3A_755 = arith.constant 0 : index
    %swap3A_756 = vector.load %arg7[%swap3A_753, %swap3A_754, %swap3A_755] : memref<16x56x128xf32, #tpu.memory_space<vmem>>, vector<16x1x128xf32>
    tpu.vector_store %arg7[%swap3A_753, %swap3A_754, %swap3A_755], %broadcast_in_dim3A_752 {strides = array<i32>} : memref<16x56x128xf32, #tpu.memory_space<vmem>>, vector<16x1x128xf32>,
    %eq3A_757 = vector.broadcast %broadcast_in_dim3A_752 : vector<16x1x128xf32> to vector<16x56x128xf32>
    %eq3A_758 = arith.cmpf oeq, %select_n3A_743, %eq3A_757 : vector<16x56x128xf32>
    %select_n3A_759 = arith.select %eq3A_758, %select_n3A_744, %select_n3A_743 : vector<16x56x128xi1>, vector<16x56x128xf32>
    %select_n3A_760 = arith.select %eq3A_758, %select_n3A_745, %select_n3A_744 : vector<16x56x128xi1>, vector<16x56x128xf32>
    %select_n3A_761 = arith.select %eq3A_758, %select_n3A_748, %select_n3A_745 : vector<16x56x128xi1>, vector<16x56x128xf32>
    %jit3A_762 = arith.constant -3.40282347E+38 : f32
    %broadcast_in_dim3A_763 = vector.broadcast %jit3A_762 : f32 to vector<16x56x128xf32>
    %select_n3A_764 = arith.select %eq3A_758, %broadcast_in_dim3A_763, %select_n3A_748 : vector<16x56x128xi1>, vector<16x56x128xf32>
    %scan3A_765 = arith.constant 44 : i32
    %reduce_max3A_766 = arith.constant dense<0xFF800000> : vector<16x128xf32>
    %reduce_max3A_767 = vector.multi_reduction <maximumf>, %select_n3A_759, %reduce_max3A_766 [1] : vector<16x56x128xf32> to vector<16x128xf32>
    %broadcast_in_dim3A_768 = vector.shape_cast %reduce_max3A_767 : vector<16x128xf32> to vector<16x1x128xf32>
    %swap3A_769 = arith.constant 0 : index
    %swap3A_770 = arith.index_cast %scan3A_765 : i32 to index
    %swap3A_771 = arith.constant 0 : index
    %swap3A_772 = vector.load %arg7[%swap3A_769, %swap3A_770, %swap3A_771] : memref<16x56x128xf32, #tpu.memory_space<vmem>>, vector<16x1x128xf32>
    tpu.vector_store %arg7[%swap3A_769, %swap3A_770, %swap3A_771], %broadcast_in_dim3A_768 {strides = array<i32>} : memref<16x56x128xf32, #tpu.memory_space<vmem>>, vector<16x1x128xf32>,
    %eq3A_773 = vector.broadcast %broadcast_in_dim3A_768 : vector<16x1x128xf32> to vector<16x56x128xf32>
    %eq3A_774 = arith.cmpf oeq, %select_n3A_759, %eq3A_773 : vector<16x56x128xf32>
    %select_n3A_775 = arith.select %eq3A_774, %select_n3A_760, %select_n3A_759 : vector<16x56x128xi1>, vector<16x56x128xf32>
    %select_n3A_776 = arith.select %eq3A_774, %select_n3A_761, %select_n3A_760 : vector<16x56x128xi1>, vector<16x56x128xf32>
    %select_n3A_777 = arith.select %eq3A_774, %select_n3A_764, %select_n3A_761 : vector<16x56x128xi1>, vector<16x56x128xf32>
    %jit3A_778 = arith.constant -3.40282347E+38 : f32
    %broadcast_in_dim3A_779 = vector.broadcast %jit3A_778 : f32 to vector<16x56x128xf32>
    %select_n3A_780 = arith.select %eq3A_774, %broadcast_in_dim3A_779, %select_n3A_764 : vector<16x56x128xi1>, vector<16x56x128xf32>
    %scan3A_781 = arith.constant 45 : i32
    %reduce_max3A_782 = arith.constant dense<0xFF800000> : vector<16x128xf32>
    %reduce_max3A_783 = vector.multi_reduction <maximumf>, %select_n3A_775, %reduce_max3A_782 [1] : vector<16x56x128xf32> to vector<16x128xf32>
    %broadcast_in_dim3A_784 = vector.shape_cast %reduce_max3A_783 : vector<16x128xf32> to vector<16x1x128xf32>
    %swap3A_785 = arith.constant 0 : index
    %swap3A_786 = arith.index_cast %scan3A_781 : i32 to index
    %swap3A_787 = arith.constant 0 : index
    %swap3A_788 = vector.load %arg7[%swap3A_785, %swap3A_786, %swap3A_787] : memref<16x56x128xf32, #tpu.memory_space<vmem>>, vector<16x1x128xf32>
    tpu.vector_store %arg7[%swap3A_785, %swap3A_786, %swap3A_787], %broadcast_in_dim3A_784 {strides = array<i32>} : memref<16x56x128xf32, #tpu.memory_space<vmem>>, vector<16x1x128xf32>,
    %eq3A_789 = vector.broadcast %broadcast_in_dim3A_784 : vector<16x1x128xf32> to vector<16x56x128xf32>
    %eq3A_790 = arith.cmpf oeq, %select_n3A_775, %eq3A_789 : vector<16x56x128xf32>
    %select_n3A_791 = arith.select %eq3A_790, %select_n3A_776, %select_n3A_775 : vector<16x56x128xi1>, vector<16x56x128xf32>
    %select_n3A_792 = arith.select %eq3A_790, %select_n3A_777, %select_n3A_776 : vector<16x56x128xi1>, vector<16x56x128xf32>
    %select_n3A_793 = arith.select %eq3A_790, %select_n3A_780, %select_n3A_777 : vector<16x56x128xi1>, vector<16x56x128xf32>
    %jit3A_794 = arith.constant -3.40282347E+38 : f32
    %broadcast_in_dim3A_795 = vector.broadcast %jit3A_794 : f32 to vector<16x56x128xf32>
    %select_n3A_796 = arith.select %eq3A_790, %broadcast_in_dim3A_795, %select_n3A_780 : vector<16x56x128xi1>, vector<16x56x128xf32>
    %scan3A_797 = arith.constant 46 : i32
    %reduce_max3A_798 = arith.constant dense<0xFF800000> : vector<16x128xf32>
    %reduce_max3A_799 = vector.multi_reduction <maximumf>, %select_n3A_791, %reduce_max3A_798 [1] : vector<16x56x128xf32> to vector<16x128xf32>
    %broadcast_in_dim3A_800 = vector.shape_cast %reduce_max3A_799 : vector<16x128xf32> to vector<16x1x128xf32>
    %swap3A_801 = arith.constant 0 : index
    %swap3A_802 = arith.index_cast %scan3A_797 : i32 to index
    %swap3A_803 = arith.constant 0 : index
    %swap3A_804 = vector.load %arg7[%swap3A_801, %swap3A_802, %swap3A_803] : memref<16x56x128xf32, #tpu.memory_space<vmem>>, vector<16x1x128xf32>
    tpu.vector_store %arg7[%swap3A_801, %swap3A_802, %swap3A_803], %broadcast_in_dim3A_800 {strides = array<i32>} : memref<16x56x128xf32, #tpu.memory_space<vmem>>, vector<16x1x128xf32>,
    %eq3A_805 = vector.broadcast %broadcast_in_dim3A_800 : vector<16x1x128xf32> to vector<16x56x128xf32>
    %eq3A_806 = arith.cmpf oeq, %select_n3A_791, %eq3A_805 : vector<16x56x128xf32>
    %select_n3A_807 = arith.select %eq3A_806, %select_n3A_792, %select_n3A_791 : vector<16x56x128xi1>, vector<16x56x128xf32>
    %select_n3A_808 = arith.select %eq3A_806, %select_n3A_793, %select_n3A_792 : vector<16x56x128xi1>, vector<16x56x128xf32>
    %select_n3A_809 = arith.select %eq3A_806, %select_n3A_796, %select_n3A_793 : vector<16x56x128xi1>, vector<16x56x128xf32>
    %jit3A_810 = arith.constant -3.40282347E+38 : f32
    %broadcast_in_dim3A_811 = vector.broadcast %jit3A_810 : f32 to vector<16x56x128xf32>
    %select_n3A_812 = arith.select %eq3A_806, %broadcast_in_dim3A_811, %select_n3A_796 : vector<16x56x128xi1>, vector<16x56x128xf32>
    %scan3A_813 = arith.constant 47 : i32
    %reduce_max3A_814 = arith.constant dense<0xFF800000> : vector<16x128xf32>
    %reduce_max3A_815 = vector.multi_reduction <maximumf>, %select_n3A_807, %reduce_max3A_814 [1] : vector<16x56x128xf32> to vector<16x128xf32>
    %broadcast_in_dim3A_816 = vector.shape_cast %reduce_max3A_815 : vector<16x128xf32> to vector<16x1x128xf32>
    %swap3A_817 = arith.constant 0 : index
    %swap3A_818 = arith.index_cast %scan3A_813 : i32 to index
    %swap3A_819 = arith.constant 0 : index
    %swap3A_820 = vector.load %arg7[%swap3A_817, %swap3A_818, %swap3A_819] : memref<16x56x128xf32, #tpu.memory_space<vmem>>, vector<16x1x128xf32>
    tpu.vector_store %arg7[%swap3A_817, %swap3A_818, %swap3A_819], %broadcast_in_dim3A_816 {strides = array<i32>} : memref<16x56x128xf32, #tpu.memory_space<vmem>>, vector<16x1x128xf32>,
    %eq3A_821 = vector.broadcast %broadcast_in_dim3A_816 : vector<16x1x128xf32> to vector<16x56x128xf32>
    %eq3A_822 = arith.cmpf oeq, %select_n3A_807, %eq3A_821 : vector<16x56x128xf32>
    %select_n3A_823 = arith.select %eq3A_822, %select_n3A_808, %select_n3A_807 : vector<16x56x128xi1>, vector<16x56x128xf32>
    %select_n3A_824 = arith.select %eq3A_822, %select_n3A_809, %select_n3A_808 : vector<16x56x128xi1>, vector<16x56x128xf32>
    %select_n3A_825 = arith.select %eq3A_822, %select_n3A_812, %select_n3A_809 : vector<16x56x128xi1>, vector<16x56x128xf32>
    %jit3A_826 = arith.constant -3.40282347E+38 : f32
    %broadcast_in_dim3A_827 = vector.broadcast %jit3A_826 : f32 to vector<16x56x128xf32>
    %select_n3A_828 = arith.select %eq3A_822, %broadcast_in_dim3A_827, %select_n3A_812 : vector<16x56x128xi1>, vector<16x56x128xf32>
    %scan3A_829 = arith.constant 48 : i32
    %reduce_max3A_830 = arith.constant dense<0xFF800000> : vector<16x128xf32>
    %reduce_max3A_831 = vector.multi_reduction <maximumf>, %select_n3A_823, %reduce_max3A_830 [1] : vector<16x56x128xf32> to vector<16x128xf32>
    %broadcast_in_dim3A_832 = vector.shape_cast %reduce_max3A_831 : vector<16x128xf32> to vector<16x1x128xf32>
    %swap3A_833 = arith.constant 0 : index
    %swap3A_834 = arith.index_cast %scan3A_829 : i32 to index
    %swap3A_835 = arith.constant 0 : index
    %swap3A_836 = vector.load %arg7[%swap3A_833, %swap3A_834, %swap3A_835] : memref<16x56x128xf32, #tpu.memory_space<vmem>>, vector<16x1x128xf32>
    tpu.vector_store %arg7[%swap3A_833, %swap3A_834, %swap3A_835], %broadcast_in_dim3A_832 {strides = array<i32>} : memref<16x56x128xf32, #tpu.memory_space<vmem>>, vector<16x1x128xf32>,
    %eq3A_837 = vector.broadcast %broadcast_in_dim3A_832 : vector<16x1x128xf32> to vector<16x56x128xf32>
    %eq3A_838 = arith.cmpf oeq, %select_n3A_823, %eq3A_837 : vector<16x56x128xf32>
    %select_n3A_839 = arith.select %eq3A_838, %select_n3A_824, %select_n3A_823 : vector<16x56x128xi1>, vector<16x56x128xf32>
    %select_n3A_840 = arith.select %eq3A_838, %select_n3A_825, %select_n3A_824 : vector<16x56x128xi1>, vector<16x56x128xf32>
    %select_n3A_841 = arith.select %eq3A_838, %select_n3A_828, %select_n3A_825 : vector<16x56x128xi1>, vector<16x56x128xf32>
    %jit3A_842 = arith.constant -3.40282347E+38 : f32
    %broadcast_in_dim3A_843 = vector.broadcast %jit3A_842 : f32 to vector<16x56x128xf32>
    %select_n3A_844 = arith.select %eq3A_838, %broadcast_in_dim3A_843, %select_n3A_828 : vector<16x56x128xi1>, vector<16x56x128xf32>
    %scan3A_845 = arith.constant 49 : i32
    %reduce_max3A_846 = arith.constant dense<0xFF800000> : vector<16x128xf32>
    %reduce_max3A_847 = vector.multi_reduction <maximumf>, %select_n3A_839, %reduce_max3A_846 [1] : vector<16x56x128xf32> to vector<16x128xf32>
    %broadcast_in_dim3A_848 = vector.shape_cast %reduce_max3A_847 : vector<16x128xf32> to vector<16x1x128xf32>
    %swap3A_849 = arith.constant 0 : index
    %swap3A_850 = arith.index_cast %scan3A_845 : i32 to index
    %swap3A_851 = arith.constant 0 : index
    %swap3A_852 = vector.load %arg7[%swap3A_849, %swap3A_850, %swap3A_851] : memref<16x56x128xf32, #tpu.memory_space<vmem>>, vector<16x1x128xf32>
    tpu.vector_store %arg7[%swap3A_849, %swap3A_850, %swap3A_851], %broadcast_in_dim3A_848 {strides = array<i32>} : memref<16x56x128xf32, #tpu.memory_space<vmem>>, vector<16x1x128xf32>,
    %eq3A_853 = vector.broadcast %broadcast_in_dim3A_848 : vector<16x1x128xf32> to vector<16x56x128xf32>
    %eq3A_854 = arith.cmpf oeq, %select_n3A_839, %eq3A_853 : vector<16x56x128xf32>
    %select_n3A_855 = arith.select %eq3A_854, %select_n3A_840, %select_n3A_839 : vector<16x56x128xi1>, vector<16x56x128xf32>
    %select_n3A_856 = arith.select %eq3A_854, %select_n3A_841, %select_n3A_840 : vector<16x56x128xi1>, vector<16x56x128xf32>
    %select_n3A_857 = arith.select %eq3A_854, %select_n3A_844, %select_n3A_841 : vector<16x56x128xi1>, vector<16x56x128xf32>
    %jit3A_858 = arith.constant -3.40282347E+38 : f32
    %broadcast_in_dim3A_859 = vector.broadcast %jit3A_858 : f32 to vector<16x56x128xf32>
    %select_n3A_860 = arith.select %eq3A_854, %broadcast_in_dim3A_859, %select_n3A_844 : vector<16x56x128xi1>, vector<16x56x128xf32>
    %scan3A_861 = arith.constant 50 : i32
    %get3A_862 = arith.constant 0 : index
    %get3A_863 = arith.constant 0 : index
    %get3A_864 = arith.constant 0 : index
    %get3A_865 = vector.load %arg7[%get3A_862, %get3A_863, %get3A_864] : memref<16x56x128xf32, #tpu.memory_space<vmem>>, vector<16x50x128xf32>
    %bitcast_convert_type3A_866 = tpu.bitcast %get3A_865 : vector<16x50x128xf32> -> vector<16x50x128xi32>
    %not3A_867 = arith.constant 255 : i32
    %not3A_868 = arith.constant -1 : i32
    %not3A_869 = arith.xori %not3A_867, %not3A_868 : i32
    %and3A_870 = vector.broadcast %not3A_869 : i32 to vector<16x50x128xi32>
    %and3A_871 = arith.andi %bitcast_convert_type3A_866, %and3A_870 : vector<16x50x128xi32>
    %or3A_872 = arith.constant 128 : i32
    %or3A_873 = vector.broadcast %or3A_872 : i32 to vector<16x50x128xi32>
    %or3A_874 = arith.ori %and3A_871, %or3A_873 : vector<16x50x128xi32>
    %bitcast_convert_type3A_875 = tpu.bitcast %or3A_874 : vector<16x50x128xi32> -> vector<16x50x128xf32>
    %reshape3A_876 = vector.shape_cast %bitcast_convert_type3A_875 : vector<16x50x128xf32> to vector<800x128xf32>
    %get3A_877 = arith.constant 0 : index
    %get3A_878 = arith.constant 0 : index
    %get3A_879 = vector.load %arg4[%get3A_877, %get3A_878] : memref<128x16xf32, #tpu.memory_space<vmem>>, vector<128x16xf32>
    %dot_general3A_880 = arith.constant dense<0.000000e+00> : vector<800x16xf32>
    %dot_general3A_881 = tpu.matmul %reshape3A_876, %get3A_879, %dot_general3A_880 {dimension_numbers = #tpu.dot_dimension_numbers<[1], [0], [0], [1], [0, 0, 1, 1], [], []>, transpose_lhs_hint = false} : vector<800x128xf32>, vector<128x16xf32>, vector<800x16xf32> -> vector<800x16xf32>
    %reshape3A_882 = vector.shape_cast %dot_general3A_881 : vector<800x16xf32> to vector<16x50x16xf32>
    %get3A_883 = arith.constant 0 : index
    %get3A_884 = arith.constant 0 : index
    %get3A_885 = vector.load %arg5[%get3A_883, %get3A_884] : memref<8x16xf32, #tpu.memory_space<vmem>>, vector<1x16xf32>
    %broadcast_in_dim3A_886 = vector.shape_cast %get3A_885 : vector<1x16xf32> to vector<1x1x16xf32>
    %add3A_887 = vector.broadcast %broadcast_in_dim3A_886 : vector<1x1x16xf32> to vector<16x50x16xf32>
    %add3A_888 = arith.addf %reshape3A_882, %add3A_887 : vector<16x50x16xf32>
    %max3A_889 = arith.constant 0.000000e+00 : f32
    %max3A_890 = vector.broadcast %max3A_889 : f32 to vector<16x50x16xf32>
    %max3A_891 = arith.maximumf %add3A_888, %max3A_890 : vector<16x50x16xf32>
    %swap3A_892 = arith.constant 0 : index
    %swap3A_893 = arith.constant 0 : index
    %swap3A_894 = arith.constant 0 : index
    %swap3A_895 = vector.load %arg6[%swap3A_892, %swap3A_893, %swap3A_894] : memref<16x50x16xf32, #tpu.memory_space<vmem>>, vector<16x50x16xf32>
    tpu.vector_store %arg6[%swap3A_892, %swap3A_893, %swap3A_894], %max3A_891 {strides = array<i32>} : memref<16x50x16xf32, #tpu.memory_space<vmem>>, vector<16x50x16xf32>,
    return
  }
  func.func @transform_0(%arg0: i32) -> (i32, i32, i32) {
    %c0_i32 = arith.constant 0 : i32
    %c0_i32_0 = arith.constant 0 : i32
    %c0_i32_1 = arith.constant 0 : i32
    return %arg0, %c0_i32, %c0_i32_0 : i32, i32, i32
  }
  func.func @transform_1(%arg0: i32) -> (i32, i32, i32) {
    %c0_i32 = arith.constant 0 : i32
    %c0_i32_0 = arith.constant 0 : i32
    %c0_i32_1 = arith.constant 0 : i32
    %c0_i32_2 = arith.constant 0 : i32
    return %c0_i32, %c0_i32_0, %c0_i32_1 : i32, i32, i32
  }
  func.func @transform_2(%arg0: i32) -> (i32, i32) {
    %c0_i32 = arith.constant 0 : i32
    %c0_i32_0 = arith.constant 0 : i32
    %c0_i32_1 = arith.constant 0 : i32
    return %c0_i32, %c0_i32_0 : i32, i32
  }
  func.func @transform_3(%arg0: i32) -> (i32, i32) {
    %c0_i32 = arith.constant 0 : i32
    %c0_i32_0 = arith.constant 0 : i32
    %c0_i32_1 = arith.constant 0 : i32
    return %c0_i32, %c0_i32_0 : i32, i32
  }
  func.func @transform_4(%arg0: i32) -> (i32, i32) {
    %c0_i32 = arith.constant 0 : i32
    %c0_i32_0 = arith.constant 0 : i32
    %c0_i32_1 = arith.constant 0 : i32
    return %c0_i32, %c0_i32_0 : i32, i32
  }
  func.func @transform_5(%arg0: i32) -> (i32, i32, i32) {
    %c0_i32 = arith.constant 0 : i32
    %c0_i32_0 = arith.constant 0 : i32
    %c0_i32_1 = arith.constant 0 : i32
    return %arg0, %c0_i32, %c0_i32_0 : i32, i32, i32
  }
}

</mosaic_0001>

<sc_bundles>
// kernel: kernel.6.cloned.1.call-start
scs
__scs_entry_jumppad:
0x0: {  	(pc) =	sbr.rel $0x88, $3  }
0x1: {  	(tag) =	ssettag $0x0;
	lr =	simm.s32 $0x1  }
0x2: {  	[smem:$0x3F9B] =	sst lr;
	_ =	strace $0xD0000000  }
0x3: {  	_ = 	snop  }
0x4: {  	_ = 	snop  }
0x5: {  	_ = 	snop  }
0x6: {  	_ = 	snop  }
0x7: {  	_ = 	snop  }
__scs_overlays_trampoline_lowered:
0x8: {  	[smem:$0x3FAA] =	sst s0  }
0x9: {  	[smem:$0x3FAB] =	sst s1  }
0xa: {  	[smem:$0x3FAC] =	sst s2  }
0xb: {  	[smem:$0x3FAD] =	sst s3  }
0xc: {  	[smem:$0x3FAE] =	sst s4  }
0xd: {  	[smem:$0x3FAF] =	sst s5  }
0xe: {  	[smem:$0x3FB0] =	sst s6  }
0xf: {  	[smem:$0x3FB1] =	sst s7  }
0x10: {  	[smem:$0x3FB2] =	sst s8  }
0x11: {  	[smem:$0x3FB3] =	sst s9;
	s0 =	simm.s32 @!p0 $0x0  }
0x12: {  	s1 =	sld [smem:$0x3F99];
	s0 =	simm.s32 @p0 $0x1  }
0x13: {  	[smem:$0x3FB4] =	sst s0;
	s0 =	simm.s32 @!p1 $0x0  }
0x14: {  	s2 =	sld [smem:$0x3F98];
	s0 =	simm.s32 @p1 $0x1  }
0x15: {  	[smem:$0x3FB5] =	sst s0;
	s0 =	simm.s32 @!p2 $0x0  }
0x16: {  	s3 =	sld [smem:$0x3FDB];
	s0 =	simm.s32 @p2 $0x1  }
0x17: {  	s4 =	simm.s32 $0x1BF5;
	[smem:$0x3FB7] =	sst s0  }
0x18: {  	s0 =	sld [smem:$0x3F9A];
	_ =	swait.ge [sflag:s4], $0x0  }
0x19: {  	s7 =	sld [smem:$0x3F9B]  }
0x1a: {  	s8 =	sadd.s32 $0xFFFFE003, lr  }
0x1b: {  	s9 =	sadd.s32 $0xFFFFFEF7, lr;
	s5 =	simm.s32 $0xFFFFFFFF;
	p2 =	slt.u32 s8, $0xFFFFF086  }
0x1c: {  	p1 =	slt.u32 s9, $0xF7A;
	s5 =	simm.s32 @!p2 $0x0  }
0x1d: {  	s5 =	simm.s32 @p1 $0x1;
	p0 =	seq.s32 s7, s2  }
0x1e: {  	s7 =	smul.u32 @!p0 $0xF7A, s2;
	p2 =	seq.s32 @!p0 s5, $0x0  }
0x1f: {  	s9 =	smul.u32 $0xF7A, s1;
	s8 =	simm.s32 @!p0 $0x1BF5;
	p2 =	por !p2, p0  }
0x20: {  	[sflag:s8] =	ssyncset.s32 @!p0 $0xFFFFF086;
	s6 =	sadd.s32 @!p0 s3, s7;
	s7 =	simm.s32 @!p0 $0x108  }
0x21: {  	s3 =	sadd.s32 s3, s9;
	s6 =	sadd.s32 @!p0 $0x88, s6;
	s7 =	simm.s32 @p2 $0x1082  }
0x22: {  	[simem:s7], [sflag:s8] =	dma.local @!p0 [hbm:s6], $0xF7A  }
0x23: {  	s9 =	sor.u32 $0xD0000000, s2;
	s6 =	simm.s32 $0x108;
	_ =	swait.ge @!p0 [sflag:s8], $0x0  }
0x24: {  	s3 =	sadd.s32 $0x88, s3;
	s6 =	simm.s32 @!p1 $0x1082;
	[sflag:s4] =	ssyncset.s32 $0xFFFFF086  }
0x25: {  	[simem:s6], [sflag:s4] =	dma.local [hbm:s3], $0xF7A  }
0x26: {  	[smem:$0x3F9B] =	sst s1;
	(tag) =	ssettag s2;
	_ =	strace s9  }
0x27: {  	s1 =	sld [smem:$0x3FAB]  }
0x28: {  	s2 =	sld [smem:$0x3FAC]  }
0x29: {  	s4 =	sld [smem:$0x3FAE]  }
0x2a: {  	p0 =	seq.s32 s5, $0x0;
	s5 =	sld [smem:$0x3FAF]  }
0x2b: {  	s6 =	sld [smem:$0x3FB0]  }
0x2c: {  	s7 =	sld [smem:$0x3FB1]  }
0x2d: {  	s3 =	simm.s32 $0x108;
	s8 =	sld [smem:$0x3FB2]  }
0x2e: {  	s3 =	simm.s32 @!p0 $0x1082;
	s9 =	sld [smem:$0x3FB3]  }
0x2f: {  	lr =	sadd.s32 s0, s3;
	s0 =	sld [smem:$0x3FAA]  }
0x30: {  	s3 =	sld [smem:$0x3FAD]  }
0x31: {  	[smem:$0x3FB6] =	sst s10  }
0x32: {  	s10 =	sld [smem:$0x3FB4];
	_ =	sdelay $0x3  }
0x33: {  	p0 =	seq.s32 s10, $0x1;
	s10 =	sld [smem:$0x3FB6];
	_ =	sdelay $0x3  }
0x34: {  	[smem:$0x3FB6] =	sst s10  }
0x35: {  	s10 =	sld [smem:$0x3FB5];
	_ =	sdelay $0x3  }
0x36: {  	p1 =	seq.s32 s10, $0x1;
	s10 =	sld [smem:$0x3FB6];
	_ =	sdelay $0x3  }
0x37: {  	[smem:$0x3FB6] =	sst s10  }
0x38: {  	s10 =	sld [smem:$0x3FB7]  }
0x39: {  	_ = 	snop;
	(pc) =	sbr.ind lr, $3  }
0x3a: {  	_ = 	snop  }
0x3b: {  	_ = 	snop  }
0x3c: {  	p2 =	seq.s32 s10, $0x1;
	s10 =	sld [smem:$0x3FB6]  }
0x3d: {  	_ =	shalt  }
0x3e: {  	_ =	shalt  }
0x3f: {  	_ =	shalt  }
0x40: {  	_ =	shalt  }
0x41: {  	_ =	shalt  }
0x42: {  	_ =	shalt  }
0x43: {  	_ =	shalt  }
0x44: {  	_ =	shalt  }
0x45: {  	_ =	shalt  }
0x46: {  	_ =	shalt  }
0x47: {  	_ =	shalt  }
0x48: {  	_ =	shalt  }
0x49: {  	_ =	shalt  }
0x4a: {  	_ =	shalt  }
0x4b: {  	_ =	shalt  }
0x4c: {  	_ =	shalt  }
0x4d: {  	_ =	shalt  }
0x4e: {  	_ =	shalt  }
0x4f: {  	_ =	shalt  }
0x50: {  	_ =	shalt  }
0x51: {  	_ =	shalt  }
0x52: {  	_ =	shalt  }
0x53: {  	_ =	shalt  }
0x54: {  	_ =	shalt  }
0x55: {  	_ =	shalt  }
0x56: {  	_ =	shalt  }
0x57: {  	_ =	shalt  }
0x58: {  	_ =	shalt  }
0x59: {  	_ =	shalt  }
0x5a: {  	_ =	shalt  }
0x5b: {  	_ =	shalt  }
0x5c: {  	_ =	shalt  }
0x5d: {  	_ =	shalt  }
0x5e: {  	_ =	shalt  }
0x5f: {  	_ =	shalt  }
0x60: {  	_ =	shalt  }
0x61: {  	_ =	shalt  }
0x62: {  	_ =	shalt  }
0x63: {  	_ =	shalt  }
0x64: {  	_ =	shalt  }
0x65: {  	_ =	shalt  }
0x66: {  	_ =	shalt  }
0x67: {  	_ =	shalt  }
0x68: {  	_ =	shalt  }
0x69: {  	_ =	shalt  }
0x6a: {  	_ =	shalt  }
0x6b: {  	_ =	shalt  }
0x6c: {  	_ =	shalt  }
0x6d: {  	_ =	shalt  }
0x6e: {  	_ =	shalt  }
0x6f: {  	_ =	shalt  }
0x70: {  	_ =	shalt  }
0x71: {  	_ =	shalt  }
0x72: {  	_ =	shalt  }
0x73: {  	_ =	shalt  }
0x74: {  	_ =	shalt  }
0x75: {  	_ =	shalt  }
0x76: {  	_ =	shalt  }
0x77: {  	_ =	shalt  }
0x78: {  	_ =	shalt  }
0x79: {  	_ =	shalt  }
0x7a: {  	_ =	shalt  }
0x7b: {  	_ =	shalt  }
0x7c: {  	_ =	shalt  }
0x7d: {  	_ =	shalt  }
0x7e: {  	_ =	shalt  }
0x7f: {  	_ =	shalt  }
0x80: {  	_ =	shalt  }
0x81: {  	_ =	shalt  }
0x82: {  	_ =	shalt  }
0x83: {  	_ =	shalt  }
0x84: {  	_ =	shalt  }
0x85: {  	_ =	shalt  }
0x86: {  	_ =	shalt  }
0x87: {  	_ =	shalt  }
.Lfunc_end0:
.L_simem_size_0:
called_computation_lowered:
.L_overlay_start_0:
0x88: {  	s2 =	sld [smem:$0x3FD9]  }
0x89: {  	s3 =	sld [smem:$0x3FFE];
	_ =	sdelay $0x1  }
0x8a: {  	s1 =	srdreg.scid  }
0x8b: {  	s0 =	sand.u32 $0x1, s1  }
0x8c: {  	s17 =	sshll.u32 s0, $0xA;
	s2 =	sadd.s32 s3, s2  }
0x8d: {  	s2 =	sadd.s32 s2, s17  }
0x8e: {  	[smem:$0x3FC2] =	sst s2  }
0x8f: {  	_ = 	snop  }
0x90: {  	(tm) =	ssettm $0x1  }
0x91: {  	s18 =	sld [smem:$0x3FFB];
	_ =	sdelay $0x3  }
0x92: {  	_ =	strace s18  }
0x93: {  	s2 =	sld [smem:$0x3FFC];
	_ =	sdelay $0x3  }
0x94: {  	_ =	strace s2  }
0x95: {  	s2 =	sld [smem:$0x3FFD];
	_ =	sdelay $0x3  }
0x96: {  	_ =	strace s2  }
0x97: {  	_ =	strace $0x8FFFFFFF  }
0x98: {  	s19 =	sld [smem:$0x3FDB];
	_ =	sdelay $0x1  }
0x99: {  	s20 =	simm.s32 $_scs_section_size  }
0x9a: {  	s4 =	simm.s32 $_size__tile_overlayer_lowered;
	s5 =	simm.s32 $_tile_overlayer_lowered  }
0x9b: {  	s6 =	simm.s32 $0x1BFF;
	s21 =	sshll.u32 s5, $0x1;
	s3 =	sadd.s32 s20, s19  }
0x9c: {  	s22 =	simm.s32 $0x0;
	s4 =	sshll.u32 s4, $0x1;
	s5 =	sadd.s32 s21, s3  }
0x9d: {  	[timem:s22], [sflag:s6] =	dma.local [hbm:s5], s4  }
0x9e: {  	_ =	swait.ge [sflag:s6], s4  }
0x9f: {  	s4 =	ssub.s32 $0x0, s4;
	[sflag:s6] =	ssyncset.done $0x0  }
0xa0: {  	[sflag:s6] =	ssyncadd.s32 s4;
	_ =	sdelay $0x1  }
0xa1: {  	s23 =	simm.s32 $0x1B8B  }
0xa2: {  	_ =	swait.ge [sflag:s23], $0x1  }
0xa3: {  	[sflag:s23] =	ssyncset.done $0x0  }
0xa4: {  	[sflag:s23] =	ssyncadd.s32 $0xFFFFFFFF  }
0xa5: {  	s4 =	sld [smem:$0x0]  }
0xa6: {  	s5 =	sand.u32 $0xFFFFFFFE, s1  }
0xa7: {  	p0 =	sne.s32 s1, s5  }
0xa8: {  	s5 =	sshll.u32 @p0 s5, $0xE  }
0xa9: {  	s5 =	sadd.s32 @p0 $0x11B8D, s5;
	s6 =	sshll.u32 @p0 s4, $0x11  }
0xaa: {  	s5 =	sor.u32 @p0 s6, s5  }
0xab: {  	[sflag:s5] =	ssyncadd.remote.s32 @p0 $0x1;
	_ =	sdelay $0x1  }
0xac: {  	s5 =	simm.s32 @p0 $0x1B8D  }
0xad: {  	_ =	swait.eq @p0 [sflag:s5], $0x1  }
0xae: {  	[sflag:s5] =	ssyncadd.s32 @p0 $0xFFFFFFFF  }
0xaf: {  	s6 =	sshll.u32 @!p0 s1, $0xE  }
0xb0: {  	s6 =	sor.u32 @!p0 $0x4000, s6;
	s5 =	simm.s32 @!p0 $0x1B8D  }
0xb1: {  	s4 =	sshll.u32 @!p0 s4, $0x11;
	s6 =	sadd.s32 @!p0 $0x11B8D, s6;
	_ =	swait.eq @!p0 [sflag:s5], $0x1  }
0xb2: {  	s4 =	sor.u32 @!p0 s4, s6;
	[sflag:s5] =	ssyncadd.s32 @!p0 $0xFFFFFFFF  }
0xb3: {  	s25 =	simm.s32 $0x1B8E;
	s24 =	sld [smem:$0x3FFE];
	[sflag:s4] =	ssyncadd.remote.s32 @!p0 $0x1  }
0xb4: {  	s26 =	simm.s32 $execute0_lowered;
	[smem:$0x3FD2] =	sst s25  }
0xb5: {  	s5 =	sshll.u32 s26, $0x1;
	_ =	strace $0x80000049;
	[dreg:$0x1] =	wrdreg $0xFFFFFFFF  }
0xb6: {  	s28 =	simm.s32 $_size_execute0_lowered;
	s3 =	sadd.s32 s3, s5;
	[dreg:$0x0] =	wrdreg $0x0  }
0xb7: {  	s5 =	sshll.u32 s28, $0x1;
	[dreg:$0x2] =	wrdreg s3  }
0xb8: {  	[dreg:$0x3] =	wrdreg s5  }
0xb9: {  	[dreg:$0x4] =	wrdreg $0xC0  }
0xba: {  	_ =	task [dreg:s22], $0x5FFFF  }
0xbb: {  	[dreg:$0x1] =	wrdreg $0xFFFFFFFF  }
0xbc: {  	[dreg:$0x0] =	wrdreg $0x60  }
0xbd: {  	[dreg:$0x2] =	wrdreg s24  }
0xbe: {  	[dreg:$0x3] =	wrdreg $0x9  }
0xbf: {  	_ =	task.clear_ibuf [dreg:s22], $0x4FFFF;
	_ =	strace $0x90000049  }
0xc0: {  	s29 =	simm.s32 $0x9;
	_ =	strace $0x8000004B  }
0xc1: {  	_ =	swait.ge [sflag:s29], $0x1  }
0xc2: {  	[sflag:s29] =	ssyncadd.s32 $0xFFFFFFFF  }
0xc3: {  	_ =	strace $0x9000004B  }
0xc4: {  	_ =	sfence  }
0xc5: {  	s30 =	sld [smem:$0x0];
	_ =	sdelay $0x2  }
0xc6: {  	s31 =	sshll.u32 s1, $0xD;
	s1 =	sshrl.u32 s1, $0x2  }
0xc7: {  	s4 =	sand.u32 $0x4000, s31;
	s1 =	sadd.s32 s1, s30  }
0xc8: {  	s0 =	sor.u32 s4, s0;
	s1 =	sshll.u32 s1, $0x11  }
0xc9: {  	s0 =	sor.u32 s1, s0  }
0xca: {  	s0 =	sadd.s32 $0x8F2B, s0  }
0xcb: {  	[sflag:s0] =	ssyncadd.remote.s32 $0x1  }
0xcc: {  	_ =	sfence.sel $0xFFFF  }
0xcd: {  	[dreg:$0x0] =	wrdreg $0xFFFFFFFF;
	(pc) =	sbr.abs _section_cstart, $3  }
0xce: {  	[dreg:$0x1] =	wrdreg $0xFFFFFFFF  }
0xcf: {  	_ =	task.clear_ibuf [dreg:s22], $0x2FFFF;
	_ =	strace $0x9FFFFFFF  }
0xd0: {  	(tm) =	ssettm $0x7FFFFFFF  }
0xd1: {  	_ =	shalt  }
tec
execute0_lowered:
.L_overlay_start_1:
0x0: {  	(tag) =	ssettag $0x1  }
0x1: {  	s1 =	srdreg.scid;
	s0 =	stileid.u32  }
0x2: {  	s10 =	sand.u32 $0x1, s1;
	s26 =	sshll.u32 s0, $0x1  }
0x3: {  	s8 =	sor.u32 s10, s26  }
0x4: {  	s9 =	rddreg [dreg:$0x0];
	s11 =	smul.u32 $0x1900, s8  }
0x5: {  	s2 =	simm.s32 $0x0;
	s1 =	rddreg [dreg:$0x1]  }
0x6: {  	[smem:$0x7FF] =	sst s2;
	s12 =	sadd.s32 $0x96400, s9;
	s3 =	sshrl.u32 s11, $0x3  }
0x7: {  	_ =	strace $0x8000004A;
	s4 =	sadd.s32 s12, s3;
	s3 =	simm.s32 $0x2  }
0x8: {  	[tilespmem:s2], [sflag:$0x2] =	stream.linear.gather [hbm4b:s4+s2], $0xC80, $0x38;
	[tilespmem:$0xD480] =	vst v63  }
0x9: {  	_ =	swait.ge [sflag:s3], $0xC80  }
0xa: {  	s6 =	simm.s32 $0xC80;
	[sflag:s3] =	ssyncset.done $0x0  }
0xb: {  	s7 =	simm.s32 $0x1;
	s5 =	sadd.s32 $0x1600, s9;
	[sflag:s3] =	ssyncadd.s32 $0xFFFFF380  }
0xc: {  	[tilespmem:s6], [sflag:$0x1] =	stream.indirect.gather [hbm4b:s5+s6], $0xA, s2, s6, $0xb8;
	[tilespmem:$0xD480] =	vst v63  }
0xd: {  	s8 =	smul.u32 $0x3200, s8;
	_ =	swait.ge [sflag:s7], $0x7D00  }
0xe: {  	s13 =	sadd.s32 $0x9C800, s9;
	[sflag:s7] =	ssyncset.done $0x0  }
0xf: {  	s8 =	sadd.s32 s13, s8;
	[sflag:s7] =	ssyncadd.s32 $0xFFFF8300  }
0x10: {  	[hbm4b:s8+s2] =	stream.linear.scatter [tilespmem:s6], [sflag:$0x2], $0xC800, $0x38;
	[tilespmem:$0xD480] =	vst v63  }
0x11: {  	s11 =	sadd.s32 $0xC80, s11;
	_ =	swait.ge [sflag:s3], $0xC800  }
0x12: {  	s28 =	sshrl.u32 s11, $0x3;
	[sflag:s3] =	ssyncset.done $0x0  }
0x13: {  	s10 =	ssub.s32 $0x2, s10;
	s9 =	sadd.s32 s12, s28;
	[sflag:s3] =	ssyncadd.s32 $0xFFFF3800  }
0x14: {  	[tilespmem:s2], [sflag:$0x2] =	stream.linear.gather [hbm4b:s9+s2], $0xC80, $0x38;
	[tilespmem:$0xD480] =	vst v63  }
0x15: {  	s29 =	sshrl.u32 s10, $0x1;
	_ =	swait.ge [sflag:s3], $0xC80  }
0x16: {  	s12 =	ssub.s32 s10, s29;
	[sflag:s3] =	ssyncset.done $0x0  }
0x17: {  	s31 =	smax.u32 s12, $0x1;
	[sflag:s3] =	ssyncadd.s32 $0xFFFFF380  }
0x18: {  	[tilespmem:s6], [sflag:$0x1] =	stream.indirect.gather [hbm4b:s5+s6], $0xA, s2, s6, $0xb8;
	[tilespmem:$0xD480] =	vst v63  }
0x19: {  	p0 =	sne.s32 s31, $0x1;
	_ =	swait.ge [sflag:s7], $0x7D00  }
.Ltmp0:
0x1a: {  	s30 =	sshll.u32 s11, $0x1;
	[sflag:s7] =	ssyncset.done $0x0;
	(pc) =	sbr.rel @!p0 .LBB2_2-.Ltmp0, $4  }
0x1b: {  	s10 =	sadd.s32 s13, s30;
	[sflag:s7] =	ssyncadd.s32 $0xFFFF8300  }
0x1c: {  	[hbm4b:s10+s2] =	stream.linear.scatter [tilespmem:s6], [sflag:$0x2], $0xC800, $0x38;
	[tilespmem:$0xD480] =	vst v63  }
0x1d: {  	_ =	swait.ge [sflag:s3], $0xC800  }
0x1e: {  	s11 =	sadd.s32 $0xFFFFFFFF, s31;
	[sflag:s3] =	ssyncset.done $0x0  }
.LBB2_1:
0x1f: {  	p0 =	sne.s32 s11, $0x1;
	s11 =	sadd.s32 $0xFFFFFFFF, s11;
	[sflag:s3] =	ssyncadd.s32 $0xFFFF3800  }
0x20: {  	[tilespmem:s2], [sflag:$0x2] =	stream.linear.gather [hbm4b:s4+s2], $0xC80, $0x38;
	[tilespmem:$0xD480] =	vst v63  }
0x21: {  	_ =	swait.ge [sflag:s3], $0xC80  }
0x22: {  	[sflag:s3] =	ssyncset.done $0x0  }
0x23: {  	[sflag:s3] =	ssyncadd.s32 $0xFFFFF380  }
0x24: {  	[tilespmem:s6], [sflag:$0x1] =	stream.indirect.gather [hbm4b:s5+s6], $0xA, s2, s6, $0xb8;
	[tilespmem:$0xD480] =	vst v63  }
0x25: {  	_ =	swait.ge [sflag:s7], $0x7D00  }
0x26: {  	[sflag:s7] =	ssyncset.done $0x0  }
0x27: {  	[sflag:s7] =	ssyncadd.s32 $0xFFFF8300  }
0x28: {  	[hbm4b:s8+s2] =	stream.linear.scatter [tilespmem:s6], [sflag:$0x2], $0xC800, $0x38;
	[tilespmem:$0xD480] =	vst v63  }
0x29: {  	_ =	swait.ge [sflag:s3], $0xC800  }
0x2a: {  	[sflag:s3] =	ssyncset.done $0x0  }
0x2b: {  	[sflag:s3] =	ssyncadd.s32 $0xFFFF3800  }
0x2c: {  	[tilespmem:s2], [sflag:$0x2] =	stream.linear.gather [hbm4b:s9+s2], $0xC80, $0x38;
	[tilespmem:$0xD480] =	vst v63  }
0x2d: {  	_ =	swait.ge [sflag:s3], $0xC80  }
0x2e: {  	[sflag:s3] =	ssyncset.done $0x0  }
0x2f: {  	[sflag:s3] =	ssyncadd.s32 $0xFFFFF380  }
0x30: {  	[tilespmem:s6], [sflag:$0x1] =	stream.indirect.gather [hbm4b:s5+s6], $0xA, s2, s6, $0xb8;
	[tilespmem:$0xD480] =	vst v63  }
0x31: {  	_ =	swait.ge [sflag:s7], $0x7D00  }
.Ltmp1:
0x32: {  	[sflag:s7] =	ssyncset.done $0x0;
	(pc) =	sbr.rel @p0 .LBB2_1-.Ltmp1, $4  }
0x33: {  	[sflag:s7] =	ssyncadd.s32 $0xFFFF8300  }
0x34: {  	[hbm4b:s10+s2] =	stream.linear.scatter [tilespmem:s6], [sflag:$0x2], $0xC800, $0x38;
	[tilespmem:$0xD480] =	vst v63  }
0x35: {  	_ =	swait.ge [sflag:s3], $0xC800  }
0x36: {  	[sflag:s3] =	ssyncset.done $0x0  }
.LBB2_2:
0x37: {  	[sflag:s3] =	ssyncadd.s32 $0xFFFF3800  }
0x38: {  	_ =	sfence.sel $0x180000  }
0x39: {  	[bflag:$0x0] =	sbarrier.arrive $0xFFFF  }
0x3a: {  	p0 =	sne.s32 s0, $0x0;
	_ =	strace $0x9000004A  }
0x3b: {  	s0 =	sadd.s32 @!p0 $0x100000, s1;
	[bflag:$0x2] =	sbarrier.arrive $0xFFFF  }
0x3c: {  	[sflag:s0] =	ssyncadd.tile.s32 @!p0 $0x1;
	_ =	shalt  }
.Lfunc_end2:
_tile_overlayer_lowered:
.L_overlay_start_2:
0x3d: {  	(tag) =	ssettag $0x2  }
0x3e: {  	s0 =	rddreg [dreg:$0x0];
	s2 =	stileid.u32  }
0x3f: {  	s1 =	rddreg [dreg:$0x1];
	p0 =	sne.s32 s2, $0x0  }
0x40: {  	s3 =	rddreg [dreg:$0x2];
	[bflag:$0x3] =	sbarrier.arrive $0xFFFF;
	s2 =	simm.s32 @!p0 $0x1C02  }
0x41: {  	[timem:s3], [sflag:s2] =	dma.local @!p0 [hbm:s0], s1  }
0x42: {  	s0 =	simm.s32 @!p0 $0x2  }
0x43: {  	_ =	swait.ge @!p0 [sflag:s0], s1  }
0x44: {  	s1 =	ssub.s32 @!p0 $0x0, s1;
	[sflag:s0] =	ssyncset.done @!p0 $0x0  }
0x45: {  	[sflag:s0] =	ssyncadd.s32 @!p0 s1  }
0x46: {  	[bflag:$0x3] =	sbarrier.arrive $0xFFFF  }
0x47: {  	_ =	shalt  }

// kernel: kernel.9.cloned.1.call-start
scs
__scs_entry_jumppad:
0x0: {  	(pc) =	sbr.rel $0x88, $3  }
0x1: {  	(tag) =	ssettag $0x0;
	lr =	simm.s32 $0x1  }
0x2: {  	[smem:$0x3F9B] =	sst lr;
	_ =	strace $0xD0000000  }
0x3: {  	_ = 	snop  }
0x4: {  	_ = 	snop  }
0x5: {  	_ = 	snop  }
0x6: {  	_ = 	snop  }
0x7: {  	_ = 	snop  }
__scs_overlays_trampoline_lowered:
0x8: {  	[smem:$0x3FAA] =	sst s0  }
0x9: {  	[smem:$0x3FAB] =	sst s1  }
0xa: {  	[smem:$0x3FAC] =	sst s2  }
0xb: {  	[smem:$0x3FAD] =	sst s3  }
0xc: {  	[smem:$0x3FAE] =	sst s4  }
0xd: {  	[smem:$0x3FAF] =	sst s5  }
0xe: {  	[smem:$0x3FB0] =	sst s6  }
0xf: {  	[smem:$0x3FB1] =	sst s7  }
0x10: {  	[smem:$0x3FB2] =	sst s8  }
0x11: {  	[smem:$0x3FB3] =	sst s9;
	s0 =	simm.s32 @!p0 $0x0  }
0x12: {  	s1 =	sld [smem:$0x3F99];
	s0 =	simm.s32 @p0 $0x1  }
0x13: {  	[smem:$0x3FB4] =	sst s0;
	s0 =	simm.s32 @!p1 $0x0  }
0x14: {  	s2 =	sld [smem:$0x3F98];
	s0 =	simm.s32 @p1 $0x1  }
0x15: {  	[smem:$0x3FB5] =	sst s0;
	s0 =	simm.s32 @!p2 $0x0  }
0x16: {  	s3 =	sld [smem:$0x3FDB];
	s0 =	simm.s32 @p2 $0x1  }
0x17: {  	s4 =	simm.s32 $0x1BF5;
	[smem:$0x3FB7] =	sst s0  }
0x18: {  	s0 =	sld [smem:$0x3F9A];
	_ =	swait.ge [sflag:s4], $0x0  }
0x19: {  	s7 =	sld [smem:$0x3F9B]  }
0x1a: {  	s8 =	sadd.s32 $0xFFFFE003, lr  }
0x1b: {  	s9 =	sadd.s32 $0xFFFFFEF7, lr;
	s5 =	simm.s32 $0xFFFFFFFF;
	p2 =	slt.u32 s8, $0xFFFFF086  }
0x1c: {  	p1 =	slt.u32 s9, $0xF7A;
	s5 =	simm.s32 @!p2 $0x0  }
0x1d: {  	s5 =	simm.s32 @p1 $0x1;
	p0 =	seq.s32 s7, s2  }
0x1e: {  	s7 =	smul.u32 @!p0 $0xF7A, s2;
	p2 =	seq.s32 @!p0 s5, $0x0  }
0x1f: {  	s9 =	smul.u32 $0xF7A, s1;
	s8 =	simm.s32 @!p0 $0x1BF5;
	p2 =	por !p2, p0  }
0x20: {  	[sflag:s8] =	ssyncset.s32 @!p0 $0xFFFFF086;
	s6 =	sadd.s32 @!p0 s3, s7;
	s7 =	simm.s32 @!p0 $0x108  }
0x21: {  	s3 =	sadd.s32 s3, s9;
	s6 =	sadd.s32 @!p0 $0x88, s6;
	s7 =	simm.s32 @p2 $0x1082  }
0x22: {  	[simem:s7], [sflag:s8] =	dma.local @!p0 [hbm:s6], $0xF7A  }
0x23: {  	s9 =	sor.u32 $0xD0000000, s2;
	s6 =	simm.s32 $0x108;
	_ =	swait.ge @!p0 [sflag:s8], $0x0  }
0x24: {  	s3 =	sadd.s32 $0x88, s3;
	s6 =	simm.s32 @!p1 $0x1082;
	[sflag:s4] =	ssyncset.s32 $0xFFFFF086  }
0x25: {  	[simem:s6], [sflag:s4] =	dma.local [hbm:s3], $0xF7A  }
0x26: {  	[smem:$0x3F9B] =	sst s1;
	(tag) =	ssettag s2;
	_ =	strace s9  }
0x27: {  	s1 =	sld [smem:$0x3FAB]  }
0x28: {  	s2 =	sld [smem:$0x3FAC]  }
0x29: {  	s4 =	sld [smem:$0x3FAE]  }
0x2a: {  	p0 =	seq.s32 s5, $0x0;
	s5 =	sld [smem:$0x3FAF]  }
0x2b: {  	s6 =	sld [smem:$0x3FB0]  }
0x2c: {  	s7 =	sld [smem:$0x3FB1]  }
0x2d: {  	s3 =	simm.s32 $0x108;
	s8 =	sld [smem:$0x3FB2]  }
0x2e: {  	s3 =	simm.s32 @!p0 $0x1082;
	s9 =	sld [smem:$0x3FB3]  }
0x2f: {  	lr =	sadd.s32 s0, s3;
	s0 =	sld [smem:$0x3FAA]  }
0x30: {  	s3 =	sld [smem:$0x3FAD]  }
0x31: {  	[smem:$0x3FB6] =	sst s10  }
0x32: {  	s10 =	sld [smem:$0x3FB4];
	_ =	sdelay $0x3  }
0x33: {  	p0 =	seq.s32 s10, $0x1;
	s10 =	sld [smem:$0x3FB6];
	_ =	sdelay $0x3  }
0x34: {  	[smem:$0x3FB6] =	sst s10  }
0x35: {  	s10 =	sld [smem:$0x3FB5];
	_ =	sdelay $0x3  }
0x36: {  	p1 =	seq.s32 s10, $0x1;
	s10 =	sld [smem:$0x3FB6];
	_ =	sdelay $0x3  }
0x37: {  	[smem:$0x3FB6] =	sst s10  }
0x38: {  	s10 =	sld [smem:$0x3FB7]  }
0x39: {  	_ = 	snop;
	(pc) =	sbr.ind lr, $3  }
0x3a: {  	_ = 	snop  }
0x3b: {  	_ = 	snop  }
0x3c: {  	p2 =	seq.s32 s10, $0x1;
	s10 =	sld [smem:$0x3FB6]  }
0x3d: {  	_ =	shalt  }
0x3e: {  	_ =	shalt  }
0x3f: {  	_ =	shalt  }
0x40: {  	_ =	shalt  }
0x41: {  	_ =	shalt  }
0x42: {  	_ =	shalt  }
0x43: {  	_ =	shalt  }
0x44: {  	_ =	shalt  }
0x45: {  	_ =	shalt  }
0x46: {  	_ =	shalt  }
0x47: {  	_ =	shalt  }
0x48: {  	_ =	shalt  }
0x49: {  	_ =	shalt  }
0x4a: {  	_ =	shalt  }
0x4b: {  	_ =	shalt  }
0x4c: {  	_ =	shalt  }
0x4d: {  	_ =	shalt  }
0x4e: {  	_ =	shalt  }
0x4f: {  	_ =	shalt  }
0x50: {  	_ =	shalt  }
0x51: {  	_ =	shalt  }
0x52: {  	_ =	shalt  }
0x53: {  	_ =	shalt  }
0x54: {  	_ =	shalt  }
0x55: {  	_ =	shalt  }
0x56: {  	_ =	shalt  }
0x57: {  	_ =	shalt  }
0x58: {  	_ =	shalt  }
0x59: {  	_ =	shalt  }
0x5a: {  	_ =	shalt  }
0x5b: {  	_ =	shalt  }
0x5c: {  	_ =	shalt  }
0x5d: {  	_ =	shalt  }
0x5e: {  	_ =	shalt  }
0x5f: {  	_ =	shalt  }
0x60: {  	_ =	shalt  }
0x61: {  	_ =	shalt  }
0x62: {  	_ =	shalt  }
0x63: {  	_ =	shalt  }
0x64: {  	_ =	shalt  }
0x65: {  	_ =	shalt  }
0x66: {  	_ =	shalt  }
0x67: {  	_ =	shalt  }
0x68: {  	_ =	shalt  }
0x69: {  	_ =	shalt  }
0x6a: {  	_ =	shalt  }
0x6b: {  	_ =	shalt  }
0x6c: {  	_ =	shalt  }
0x6d: {  	_ =	shalt  }
0x6e: {  	_ =	shalt  }
0x6f: {  	_ =	shalt  }
0x70: {  	_ =	shalt  }
0x71: {  	_ =	shalt  }
0x72: {  	_ =	shalt  }
0x73: {  	_ =	shalt  }
0x74: {  	_ =	shalt  }
0x75: {  	_ =	shalt  }
0x76: {  	_ =	shalt  }
0x77: {  	_ =	shalt  }
0x78: {  	_ =	shalt  }
0x79: {  	_ =	shalt  }
0x7a: {  	_ =	shalt  }
0x7b: {  	_ =	shalt  }
0x7c: {  	_ =	shalt  }
0x7d: {  	_ =	shalt  }
0x7e: {  	_ =	shalt  }
0x7f: {  	_ =	shalt  }
0x80: {  	_ =	shalt  }
0x81: {  	_ =	shalt  }
0x82: {  	_ =	shalt  }
0x83: {  	_ =	shalt  }
0x84: {  	_ =	shalt  }
0x85: {  	_ =	shalt  }
0x86: {  	_ =	shalt  }
0x87: {  	_ =	shalt  }
.Lfunc_end0:
.L_simem_size_0:
called_computation.1_lowered:
.L_overlay_start_0:
0x88: {  	s2 =	sld [smem:$0x3FD9]  }
0x89: {  	s3 =	sld [smem:$0x3FFE];
	_ =	sdelay $0x1  }
0x8a: {  	s1 =	srdreg.scid  }
0x8b: {  	s0 =	sand.u32 $0x1, s1  }
0x8c: {  	s17 =	sshll.u32 s0, $0xA;
	s2 =	sadd.s32 s3, s2  }
0x8d: {  	s2 =	sadd.s32 s2, s17  }
0x8e: {  	[smem:$0x3FC2] =	sst s2  }
0x8f: {  	_ = 	snop  }
0x90: {  	s2 =	sld [smem:$0x3FD0];
	(tm) =	ssettm $0x1  }
0x91: {  	s18 =	sld [smem:$0x3FFB];
	_ =	sdelay $0x3  }
0x92: {  	_ =	strace s18  }
0x93: {  	s3 =	sld [smem:$0x3FFC];
	_ =	sdelay $0x3  }
0x94: {  	_ =	strace s3  }
0x95: {  	s3 =	sld [smem:$0x3FFD];
	_ =	sdelay $0x3  }
0x96: {  	_ =	strace s3  }
0x97: {  	_ =	strace $0x8FFFFFFF  }
0x98: {  	s19 =	sld [smem:$0x3FDB];
	_ =	sdelay $0x1  }
0x99: {  	s4 =	simm.s32 $_scs_section_size  }
0x9a: {  	s5 =	simm.s32 $_size__tile_overlayer_lowered;
	s6 =	simm.s32 $_tile_overlayer_lowered  }
0x9b: {  	s22 =	simm.s32 $0x1BFF;
	s21 =	sshll.u32 s6, $0x1;
	s3 =	sadd.s32 s4, s19  }
0x9c: {  	s7 =	simm.s32 $0x0;
	s20 =	sshll.u32 s5, $0x1;
	s5 =	sadd.s32 s21, s3  }
0x9d: {  	[timem:s7], [sflag:s22] =	dma.local [hbm:s5], s20  }
0x9e: {  	_ =	swait.ge [sflag:s22], s20  }
0x9f: {  	s4 =	ssub.s32 $0x0, s20;
	[sflag:s22] =	ssyncset.done $0x0  }
0xa0: {  	[sflag:s22] =	ssyncadd.s32 s4;
	_ =	sdelay $0x1  }
0xa1: {  	s23 =	simm.s32 $0x1B8B  }
0xa2: {  	_ =	swait.ge [sflag:s23], $0x1  }
0xa3: {  	[sflag:s23] =	ssyncset.done $0x0  }
0xa4: {  	s25 =	simm.s32 $0x1B8E;
	s24 =	sld [smem:$0x3FFE];
	[sflag:s23] =	ssyncadd.s32 $0xFFFFFFFF  }
0xa5: {  	s26 =	simm.s32 $execute0_lowered;
	[smem:$0x3FD2] =	sst s25  }
0xa6: {  	s5 =	sshll.u32 s26, $0x1;
	_ =	strace $0x80000046;
	[dreg:$0x1] =	wrdreg $0xFFFFFFFF  }
0xa7: {  	s28 =	simm.s32 $_size_execute0_lowered;
	s3 =	sadd.s32 s3, s5;
	[dreg:$0x0] =	wrdreg $0x0  }
0xa8: {  	s5 =	sshll.u32 s28, $0x1;
	[dreg:$0x2] =	wrdreg s3  }
0xa9: {  	[dreg:$0x3] =	wrdreg s5  }
0xaa: {  	[dreg:$0x4] =	wrdreg $0xC0  }
0xab: {  	_ =	task [dreg:s7], $0x5FFFF  }
0xac: {  	[dreg:$0x1] =	wrdreg $0xFFFFFFFF  }
0xad: {  	[dreg:$0x0] =	wrdreg $0x60  }
0xae: {  	[dreg:$0x2] =	wrdreg s24  }
0xaf: {  	[dreg:$0x3] =	wrdreg s2  }
0xb0: {  	[dreg:$0x4] =	wrdreg $0xA  }
0xb1: {  	_ =	task.clear_ibuf [dreg:s7], $0x5FFFF;
	_ =	strace $0x90000046  }
0xb2: {  	s29 =	simm.s32 $0xA;
	_ =	strace $0x80000048  }
0xb3: {  	_ =	swait.ge [sflag:s29], $0x1  }
0xb4: {  	[sflag:s29] =	ssyncadd.s32 $0xFFFFFFFF  }
0xb5: {  	_ =	strace $0x90000048  }
0xb6: {  	_ =	sfence  }
0xb7: {  	s30 =	sld [smem:$0x0];
	_ =	sdelay $0x2  }
0xb8: {  	s31 =	sshll.u32 s1, $0xD;
	s1 =	sshrl.u32 s1, $0x2  }
0xb9: {  	s3 =	sand.u32 $0x4000, s31;
	s1 =	sadd.s32 s1, s30  }
0xba: {  	s0 =	sor.u32 s3, s0;
	s1 =	sshll.u32 s1, $0x11  }
0xbb: {  	s0 =	sor.u32 s1, s0  }
0xbc: {  	s0 =	sadd.s32 $0x8F2B, s0  }
0xbd: {  	[sflag:s0] =	ssyncadd.remote.s32 $0x1  }
0xbe: {  	_ =	sfence.sel $0xFFFF  }
0xbf: {  	[dreg:$0x0] =	wrdreg $0xFFFFFFFF;
	(pc) =	sbr.abs _section_cstart, $3  }
0xc0: {  	[dreg:$0x1] =	wrdreg $0xFFFFFFFF  }
0xc1: {  	_ =	task.clear_ibuf [dreg:s7], $0x2FFFF;
	_ =	strace $0x9FFFFFFF  }
0xc2: {  	(tm) =	ssettm $0x7FFFFFFF  }
0xc3: {  	_ =	shalt  }
tec
execute0_lowered:
.L_overlay_start_1:
0x0: {  	(tag) =	ssettag $0x1  }
0x1: {  	s1 =	srdreg.scid;
	s0 =	stileid.u32  }
0x2: {  	s10 =	sand.u32 $0x1, s1;
	s28 =	sshll.u32 s0, $0x1  }
0x3: {  	s8 =	rddreg [dreg:$0x0];
	s9 =	sor.u32 s10, s28  }
0x4: {  	s11 =	rddreg [dreg:$0x1];
	s12 =	smul.u32 $0x1900, s9  }
0x5: {  	s2 =	simm.s32 $0x0;
	s1 =	rddreg [dreg:$0x2]  }
0x6: {  	[smem:$0x7FF] =	sst s2;
	s3 =	sshrl.u32 s12, $0x3  }
0x7: {  	_ =	strace $0x80000047;
	s4 =	sadd.s32 s11, s3;
	s3 =	simm.s32 $0x2  }
0x8: {  	[tilespmem:s2], [sflag:$0x2] =	stream.linear.gather [hbm4b:s4+s2], $0xC80, $0x38;
	[tilespmem:$0xD480] =	vst v63  }
0x9: {  	_ =	swait.ge [sflag:s3], $0xC80  }
0xa: {  	s6 =	simm.s32 $0xC80;
	[sflag:s3] =	ssyncset.done $0x0  }
0xb: {  	s7 =	simm.s32 $0x1;
	s5 =	sadd.s32 $0x1600, s8;
	[sflag:s3] =	ssyncadd.s32 $0xFFFFF380  }
0xc: {  	[tilespmem:s6], [sflag:$0x1] =	stream.indirect.gather [hbm4b:s5+s6], $0xA, s2, s6, $0xb8;
	[tilespmem:$0xD480] =	vst v63  }
0xd: {  	s9 =	smul.u32 $0x3200, s9;
	_ =	swait.ge [sflag:s7], $0x7D00  }
0xe: {  	s13 =	sadd.s32 $0x32400, s8;
	[sflag:s7] =	ssyncset.done $0x0  }
0xf: {  	s8 =	sadd.s32 s13, s9;
	[sflag:s7] =	ssyncadd.s32 $0xFFFF8300  }
0x10: {  	[hbm4b:s8+s2] =	stream.linear.scatter [tilespmem:s6], [sflag:$0x2], $0xC800, $0x38;
	[tilespmem:$0xD480] =	vst v63  }
0x11: {  	s12 =	sadd.s32 $0xC80, s12;
	_ =	swait.ge [sflag:s3], $0xC800  }
0x12: {  	s29 =	sshrl.u32 s12, $0x3;
	[sflag:s3] =	ssyncset.done $0x0  }
0x13: {  	s10 =	ssub.s32 $0x2, s10;
	s9 =	sadd.s32 s11, s29;
	[sflag:s3] =	ssyncadd.s32 $0xFFFF3800  }
0x14: {  	[tilespmem:s2], [sflag:$0x2] =	stream.linear.gather [hbm4b:s9+s2], $0xC80, $0x38;
	[tilespmem:$0xD480] =	vst v63  }
0x15: {  	s30 =	sshrl.u32 s10, $0x1;
	_ =	swait.ge [sflag:s3], $0xC80  }
0x16: {  	s11 =	ssub.s32 s10, s30;
	[sflag:s3] =	ssyncset.done $0x0  }
0x17: {  	s11 =	smax.u32 s11, $0x1;
	[sflag:s3] =	ssyncadd.s32 $0xFFFFF380  }
0x18: {  	[tilespmem:s6], [sflag:$0x1] =	stream.indirect.gather [hbm4b:s5+s6], $0xA, s2, s6, $0xb8;
	[tilespmem:$0xD480] =	vst v63  }
0x19: {  	p0 =	sne.s32 s11, $0x1;
	_ =	swait.ge [sflag:s7], $0x7D00  }
.Ltmp0:
0x1a: {  	s31 =	sshll.u32 s12, $0x1;
	[sflag:s7] =	ssyncset.done $0x0;
	(pc) =	sbr.rel @!p0 .LBB2_2-.Ltmp0, $4  }
0x1b: {  	s10 =	sadd.s32 s13, s31;
	[sflag:s7] =	ssyncadd.s32 $0xFFFF8300  }
0x1c: {  	[hbm4b:s10+s2] =	stream.linear.scatter [tilespmem:s6], [sflag:$0x2], $0xC800, $0x38;
	[tilespmem:$0xD480] =	vst v63  }
0x1d: {  	_ =	swait.ge [sflag:s3], $0xC800  }
0x1e: {  	s11 =	sadd.s32 $0xFFFFFFFF, s11;
	[sflag:s3] =	ssyncset.done $0x0  }
.LBB2_1:
0x1f: {  	p0 =	sne.s32 s11, $0x1;
	s11 =	sadd.s32 $0xFFFFFFFF, s11;
	[sflag:s3] =	ssyncadd.s32 $0xFFFF3800  }
0x20: {  	[tilespmem:s2], [sflag:$0x2] =	stream.linear.gather [hbm4b:s4+s2], $0xC80, $0x38;
	[tilespmem:$0xD480] =	vst v63  }
0x21: {  	_ =	swait.ge [sflag:s3], $0xC80  }
0x22: {  	[sflag:s3] =	ssyncset.done $0x0  }
0x23: {  	[sflag:s3] =	ssyncadd.s32 $0xFFFFF380  }
0x24: {  	[tilespmem:s6], [sflag:$0x1] =	stream.indirect.gather [hbm4b:s5+s6], $0xA, s2, s6, $0xb8;
	[tilespmem:$0xD480] =	vst v63  }
0x25: {  	_ =	swait.ge [sflag:s7], $0x7D00  }
0x26: {  	[sflag:s7] =	ssyncset.done $0x0  }
0x27: {  	[sflag:s7] =	ssyncadd.s32 $0xFFFF8300  }
0x28: {  	[hbm4b:s8+s2] =	stream.linear.scatter [tilespmem:s6], [sflag:$0x2], $0xC800, $0x38;
	[tilespmem:$0xD480] =	vst v63  }
0x29: {  	_ =	swait.ge [sflag:s3], $0xC800  }
0x2a: {  	[sflag:s3] =	ssyncset.done $0x0  }
0x2b: {  	[sflag:s3] =	ssyncadd.s32 $0xFFFF3800  }
0x2c: {  	[tilespmem:s2], [sflag:$0x2] =	stream.linear.gather [hbm4b:s9+s2], $0xC80, $0x38;
	[tilespmem:$0xD480] =	vst v63  }
0x2d: {  	_ =	swait.ge [sflag:s3], $0xC80  }
0x2e: {  	[sflag:s3] =	ssyncset.done $0x0  }
0x2f: {  	[sflag:s3] =	ssyncadd.s32 $0xFFFFF380  }
0x30: {  	[tilespmem:s6], [sflag:$0x1] =	stream.indirect.gather [hbm4b:s5+s6], $0xA, s2, s6, $0xb8;
	[tilespmem:$0xD480] =	vst v63  }
0x31: {  	_ =	swait.ge [sflag:s7], $0x7D00  }
.Ltmp1:
0x32: {  	[sflag:s7] =	ssyncset.done $0x0;
	(pc) =	sbr.rel @p0 .LBB2_1-.Ltmp1, $4  }
0x33: {  	[sflag:s7] =	ssyncadd.s32 $0xFFFF8300  }
0x34: {  	[hbm4b:s10+s2] =	stream.linear.scatter [tilespmem:s6], [sflag:$0x2], $0xC800, $0x38;
	[tilespmem:$0xD480] =	vst v63  }
0x35: {  	_ =	swait.ge [sflag:s3], $0xC800  }
0x36: {  	[sflag:s3] =	ssyncset.done $0x0  }
.LBB2_2:
0x37: {  	[sflag:s3] =	ssyncadd.s32 $0xFFFF3800  }
0x38: {  	_ =	sfence.sel $0x180000  }
0x39: {  	[bflag:$0x0] =	sbarrier.arrive $0xFFFF  }
0x3a: {  	p0 =	sne.s32 s0, $0x0;
	_ =	strace $0x90000047  }
0x3b: {  	s0 =	sadd.s32 @!p0 $0x100000, s1;
	[bflag:$0x2] =	sbarrier.arrive $0xFFFF  }
0x3c: {  	[sflag:s0] =	ssyncadd.tile.s32 @!p0 $0x1;
	_ =	shalt  }
.Lfunc_end2:
_tile_overlayer_lowered:
.L_overlay_start_2:
0x3d: {  	(tag) =	ssettag $0x2  }
0x3e: {  	s0 =	rddreg [dreg:$0x0];
	s2 =	stileid.u32  }
0x3f: {  	s1 =	rddreg [dreg:$0x1];
	p0 =	sne.s32 s2, $0x0  }
0x40: {  	s3 =	rddreg [dreg:$0x2];
	[bflag:$0x3] =	sbarrier.arrive $0xFFFF;
	s2 =	simm.s32 @!p0 $0x1C02  }
0x41: {  	[timem:s3], [sflag:s2] =	dma.local @!p0 [hbm:s0], s1  }
0x42: {  	s0 =	simm.s32 @!p0 $0x2  }
0x43: {  	_ =	swait.ge @!p0 [sflag:s0], s1  }
0x44: {  	s1 =	ssub.s32 @!p0 $0x0, s1;
	[sflag:s0] =	ssyncset.done @!p0 $0x0  }
0x45: {  	[sflag:s0] =	ssyncadd.s32 @!p0 s1  }
0x46: {  	[bflag:$0x3] =	sbarrier.arrive $0xFFFF  }
0x47: {  	_ =	shalt  }

</sc_bundles>
